<compile_context>
chip_gen: v7x
topology: tpu7x:2x2x1
jax: 0.10.2.dev20260603
libtpu: 0.0.44.dev20260713+nightly
codegen_flags: <defaults>
</compile_context>

<pallas_src>
import functools

import jax
import jax.numpy as jnp
from jax import lax
from jax.experimental import pallas as pl
from jax.experimental.pallas import tpu as pltpu
from jax.experimental.pallas import tpu_sc as plsc


def _sc_build(s_len, n0, n1, d0, d1, nc, ns):
    nw = nc * ns
    rows_per_w = s_len // nw
    j_per_w = n1 // nw
    rep = 16

    mesh = plsc.VectorSubcoreMesh(core_axis_name="c", subcore_axis_name="s")

    @functools.partial(
        pl.kernel,
        out_type=jax.ShapeDtypeStruct((1, s_len, d0 + d1), jnp.float32),
        mesh=mesh,
        scratch_types=[
            pltpu.VMEM_SHARED((j_per_w * n0, d0), jnp.float32),
            pltpu.VMEM((rep, d1), jnp.float32),
            pltpu.VMEM((rep, d1), jnp.float32),
            pltpu.VMEM((rep, d1), jnp.float32),
            pltpu.VMEM((rep, d1), jnp.float32),
            pltpu.SemaphoreType.DMA,
            pltpu.SemaphoreType.DMA,
            pltpu.SemaphoreType.DMA,
        ],
    )
    def body(x1_hbm, x2_hbm, out_hbm, x1r_sh, g0, g1, g2, g3, sg, sx, sw):
        sid = lax.axis_index("s")
        wid = sid * nc + lax.axis_index("c")
        gbufs = (g0, g1, g2, g3)

        gathers = []
        for t in range(j_per_w):
            j = wid * j_per_w + t
            jvec = jnp.full((16,), j, jnp.int32)
            gathers.append(pltpu.async_copy(x2_hbm.at[jvec], gbufs[t], sg))

        stripe = j_per_w * n0 // ns
        pltpu.sync_copy(
            x1_hbm.at[pl.ds((sid * stripe) % n0, stripe)],
            x1r_sh.at[pl.ds(sid * stripe, stripe)],
        )

        plsc.subcore_barrier()

        w0 = wid * rows_per_w
        xw = pltpu.async_copy(
            x1r_sh, out_hbm.at[0, pl.ds(w0, rows_per_w), pl.ds(0, d0)], sx
        )

        writes = []
        for t in range(j_per_w):
            gathers[t].wait()
            base = (wid * j_per_w + t) * n0
            for h in range(n0 // rep):
                writes.append(
                    pltpu.async_copy(
                        gbufs[t],
                        out_hbm.at[0, pl.ds(base + h * rep, rep), pl.ds(d0, d1)],
                        sw,
                    )
                )
        for w in writes:
            w.wait()
        xw.wait()

    return body


def kernel(x, x1, x2):
    s_len = x.shape[1]
    n0, d0 = x1.shape
    n1, d1 = x2.shape
    info = plsc.get_sparse_core_info()
    build = _sc_build(s_len, n0, n1, d0, d1, info.num_cores, info.num_subcores)
    out = build(x1, x2)
    return out.astype(x.dtype)

# --- scband reference (transcript-rebuilt; emitter-appended) ---
"""Pipeline reference for scband-axial-positional-encoding-58411555226252 (READ-ONLY COPY).

The authoritative reference and input builder live on the scoring server;
editing this copy changes nothing except your own understanding.
"""

import jax, jax.numpy as jnp
import numpy as np
import math

MAX_SEQ_LEN = 8192
EMBED_DIM = 2048
D0 = EMBED_DIM // 2
D1 = (EMBED_DIM + 1) // 2

def _largest_factor_pair(n):
    for i in reversed(range(int(math.sqrt(n) + 1))):
        if i > 0 and n % i == 0:
            return (i, n // i)
    return (-1, -1)

N0, N1 = _largest_factor_pair(MAX_SEQ_LEN)

def setup_inputs(seed: int = 0) -> dict:
    key = jax.random.key(seed)
    k1, k2, k3 = jax.random.split(key, 3)
    x = jax.random.normal(k1, (2, 8192, EMBED_DIM), dtype=jnp.float32)
    x1 = jax.random.normal(k2, (N0, D0), dtype=jnp.float32)
    x2 = jax.random.normal(k3, (N1, D1), dtype=jnp.float32)
    return {"x": x, "x1": x1, "x2": x2}

def reference(x, x1, x2):
    # Faithful translation of AxialPositionalEncoding.forward (eval mode: dropout = identity).
    # The torch code builds encodings[1, S, E] and fills the first d0 columns of each
    # position s with x1[s % n0] and the last d1 columns with x2[s // n0].
    seq_len = x.shape[1]
    n0 = x1.shape[0]
    seq_positions = jnp.arange(seq_len)
    part1 = jnp.take(x1, seq_positions % n0, axis=0)   # [S, d0] gather
    part2 = jnp.take(x2, seq_positions // n0, axis=0)  # [S, d1] gather
    encodings = jnp.concatenate([part1, part2], axis=-1).astype(x.dtype)
    return encodings[None, :, :]  # [1, S, E]

if __name__ == "__main__":
    import jax
    _d = setup_inputs()
    print(jax.jit(kernel)(*tuple(_d.values())))

</pallas_src>

<mosaic_0001>
#map = affine_map<(d0, d1) -> (0, 0)>
#map1 = affine_map<(d0, d1) -> (0, 0, 0)>
module attributes {stable_mosaic.version = 14 : i64} {
  func.func @body(%arg0: i32, %arg1: i32, %arg2: memref<64x1024xf32, #tpu.memory_space<hbm>>, %arg3: memref<128x1024xf32, #tpu.memory_space<hbm>>, %arg4: memref<1x8192x2048xf32, #tpu.memory_space<hbm>>, %arg5: memref<256x1024xf32, #tpu.memory_space<vmem_shared>>, %arg6: memref<16x1024xf32, #tpu.memory_space<vmem>>, %arg7: memref<16x1024xf32, #tpu.memory_space<vmem>>, %arg8: memref<16x1024xf32, #tpu.memory_space<vmem>>, %arg9: memref<16x1024xf32, #tpu.memory_space<vmem>>, %arg10: memref<!tpu.dma_semaphore, #tpu.memory_space<semaphore_mem>>, %arg11: memref<!tpu.dma_semaphore, #tpu.memory_space<semaphore_mem>>, %arg12: memref<!tpu.dma_semaphore, #tpu.memory_space<semaphore_mem>>) attributes {dimension_semantics = [#tpu.dimension_semantics<core_parallel>, #tpu.dimension_semantics<subcore_parallel>], iteration_bounds = array<i64: 2, 16>, scalar_prefetch = 0 : i64, scratch_operands = 8 : i64, tpu.core_type = #tpu.core_type<sc_vector_subcore>, window_params = [{transform_indices = #map}, {transform_indices = #map}, {transform_indices = #map1}]} {
    %mul3A = arith.constant 2 : i32
    %mul3A_0 = arith.muli %arg1, %mul3A : i32
    %add3A = arith.addi %mul3A_0, %arg0 : i32
    %mul3A_1 = arith.constant 4 : i32
    %mul3A_2 = arith.muli %add3A, %mul3A_1 : i32
    %add3A_3 = arith.constant 0 : i32
    %add3A_4 = arith.addi %mul3A_2, %add3A_3 : i32
    %broadcast_in_dim3A = vector.broadcast %add3A_4 : i32 to vector<16xi32>
    %dma_start3A = arith.constant 0 : i32
    %dma_start3A_5 = arith.constant 0 : i32
    %dma_start3A_6 = tpu.memref_slice %arg3[%dma_start3A, %dma_start3A_5] : memref<128x1024xf32, #tpu.memory_space<hbm>> -> memref<128x1024xf32, #tpu.memory_space<hbm>>
    tpu.enqueue_indirect_dma source(%dma_start3A_6 : memref<128x1024xf32, #tpu.memory_space<hbm>>) target(%arg6 : memref<16x1024xf32, #tpu.memory_space<vmem>>) offsets(%broadcast_in_dim3A : vector<16xi32>) semaphore(%arg10 : memref<!tpu.dma_semaphore, #tpu.memory_space<semaphore_mem>>)
    %mul3A_7 = arith.constant 4 : i32
    %mul3A_8 = arith.muli %add3A, %mul3A_7 : i32
    %add3A_9 = arith.constant 1 : i32
    %add3A_10 = arith.addi %mul3A_8, %add3A_9 : i32
    %broadcast_in_dim3A_11 = vector.broadcast %add3A_10 : i32 to vector<16xi32>
    %dma_start3A_12 = arith.constant 0 : i32
    %dma_start3A_13 = arith.constant 0 : i32
    %dma_start3A_14 = tpu.memref_slice %arg3[%dma_start3A_12, %dma_start3A_13] : memref<128x1024xf32, #tpu.memory_space<hbm>> -> memref<128x1024xf32, #tpu.memory_space<hbm>>
    tpu.enqueue_indirect_dma source(%dma_start3A_14 : memref<128x1024xf32, #tpu.memory_space<hbm>>) target(%arg7 : memref<16x1024xf32, #tpu.memory_space<vmem>>) offsets(%broadcast_in_dim3A_11 : vector<16xi32>) semaphore(%arg10 : memref<!tpu.dma_semaphore, #tpu.memory_space<semaphore_mem>>)
    %mul3A_15 = arith.constant 4 : i32
    %mul3A_16 = arith.muli %add3A, %mul3A_15 : i32
    %add3A_17 = arith.constant 2 : i32
    %add3A_18 = arith.addi %mul3A_16, %add3A_17 : i32
    %broadcast_in_dim3A_19 = vector.broadcast %add3A_18 : i32 to vector<16xi32>
    %dma_start3A_20 = arith.constant 0 : i32
    %dma_start3A_21 = arith.constant 0 : i32
    %dma_start3A_22 = tpu.memref_slice %arg3[%dma_start3A_20, %dma_start3A_21] : memref<128x1024xf32, #tpu.memory_space<hbm>> -> memref<128x1024xf32, #tpu.memory_space<hbm>>
    tpu.enqueue_indirect_dma source(%dma_start3A_22 : memref<128x1024xf32, #tpu.memory_space<hbm>>) target(%arg8 : memref<16x1024xf32, #tpu.memory_space<vmem>>) offsets(%broadcast_in_dim3A_19 : vector<16xi32>) semaphore(%arg10 : memref<!tpu.dma_semaphore, #tpu.memory_space<semaphore_mem>>)
    %mul3A_23 = arith.constant 4 : i32
    %mul3A_24 = arith.muli %add3A, %mul3A_23 : i32
    %add3A_25 = arith.constant 3 : i32
    %add3A_26 = arith.addi %mul3A_24, %add3A_25 : i32
    %broadcast_in_dim3A_27 = vector.broadcast %add3A_26 : i32 to vector<16xi32>
    %dma_start3A_28 = arith.constant 0 : i32
    %dma_start3A_29 = arith.constant 0 : i32
    %dma_start3A_30 = tpu.memref_slice %arg3[%dma_start3A_28, %dma_start3A_29] : memref<128x1024xf32, #tpu.memory_space<hbm>> -> memref<128x1024xf32, #tpu.memory_space<hbm>>
    tpu.enqueue_indirect_dma source(%dma_start3A_30 : memref<128x1024xf32, #tpu.memory_space<hbm>>) target(%arg9 : memref<16x1024xf32, #tpu.memory_space<vmem>>) offsets(%broadcast_in_dim3A_27 : vector<16xi32>) semaphore(%arg10 : memref<!tpu.dma_semaphore, #tpu.memory_space<semaphore_mem>>)
    %mul3A_31 = arith.constant 16 : i32
    %mul3A_32 = arith.muli %arg1, %mul3A_31 : i32
    %jit3A = arith.constant 64 : i32
    %eq3A = arith.constant 0 : i32
    %eq3A_33 = arith.cmpi eq, %jit3A, %eq3A : i32
    %jit3A_34 = arith.constant 1 : i32
    %select_n3A = arith.select %eq3A_33, %jit3A_34, %jit3A : i32
    %rem3A = arith.remsi %mul3A_32, %select_n3A : i32
    %ne3A = arith.constant 0 : i32
    %ne3A_35 = arith.cmpi ne, %rem3A, %ne3A : i32
    %lt3A = arith.constant 0 : i32
    %lt3A_36 = arith.cmpi slt, %rem3A, %lt3A : i32
    %lt3A_37 = arith.constant 0 : i32
    %lt3A_38 = arith.cmpi slt, %select_n3A, %lt3A_37 : i32
    %ne3A_39 = arith.xori %lt3A_36, %lt3A_38 : i1
    %and3A = arith.andi %ne3A_39, %ne3A_35 : i1
    %add3A_40 = arith.addi %rem3A, %select_n3A : i32
    %select_n3A_41 = arith.select %and3A, %add3A_40, %rem3A : i32
    %mul3A_42 = arith.constant 16 : i32
    %mul3A_43 = arith.muli %arg1, %mul3A_42 : i32
    "tpu.region"() ({
      %run_scoped3A = tpu.sem_alloc : memref<!tpu.dma_semaphore, #tpu.memory_space<semaphore_mem>>
      %dma_start3A_345 = arith.constant 0 : i32
      %dma_start3A_346 = tpu.memref_slice %arg5[%mul3A_43, %dma_start3A_345] : memref<256x1024xf32, #tpu.memory_space<vmem_shared>> -> memref<16x1024xf32, #tpu.memory_space<vmem_shared>>
      %dma_start3A_347 = arith.constant 0 : i32
      %dma_start3A_348 = tpu.memref_slice %arg2[%select_n3A_41, %dma_start3A_347] : memref<64x1024xf32, #tpu.memory_space<hbm>> -> memref<16x1024xf32, #tpu.memory_space<hbm>>
      tpu.enqueue_dma source(%dma_start3A_348 : memref<16x1024xf32, #tpu.memory_space<hbm>>) target(%dma_start3A_346 : memref<16x1024xf32, #tpu.memory_space<vmem_shared>>) target_semaphore(%run_scoped3A : memref<!tpu.dma_semaphore, #tpu.memory_space<semaphore_mem>>)
      %dma_wait3A_349 = arith.constant 0 : i32
      %dma_wait3A_350 = tpu.memref_slice %arg5[%mul3A_43, %dma_wait3A_349] : memref<256x1024xf32, #tpu.memory_space<vmem_shared>> -> memref<16x1024xf32, #tpu.memory_space<vmem_shared>>
      %dma_wait3A_351 = arith.constant 0 : i32
      %dma_wait3A_352 = tpu.memref_slice %arg2[%select_n3A_41, %dma_wait3A_351] : memref<64x1024xf32, #tpu.memory_space<hbm>> -> memref<16x1024xf32, #tpu.memory_space<hbm>>
      tpu.wait_dma2 semaphore(%run_scoped3A : memref<!tpu.dma_semaphore, #tpu.memory_space<semaphore_mem>>) src(%dma_wait3A_352 : memref<16x1024xf32, #tpu.memory_space<hbm>>) dst(%dma_wait3A_350 : memref<16x1024xf32, #tpu.memory_space<vmem_shared>>)
      tpu.yield
    }) : () -> ()
    %barrier3A = arith.constant 0 : index
    tpu.barrier barrier_id(%barrier3A)
    %mul3A_44 = arith.constant 256 : i32
    %mul3A_45 = arith.muli %add3A, %mul3A_44 : i32
    %dma_start3A_46 = arith.constant 0 : i32
    %dma_start3A_47 = arith.constant 0 : i32
    %dma_start3A_48 = tpu.memref_slice %arg4[%dma_start3A_46, %mul3A_45, %dma_start3A_47] : memref<1x8192x2048xf32, #tpu.memory_space<hbm>> -> memref<1x256x1024xf32, #tpu.memory_space<hbm>>
    %dma_start3A_49 = tpu.memref_squeeze %dma_start3A_48 : memref<1x256x1024xf32, #tpu.memory_space<hbm>> -> memref<256x1024xf32, #tpu.memory_space<hbm>>
    tpu.enqueue_dma source(%arg5 : memref<256x1024xf32, #tpu.memory_space<vmem_shared>>) target(%dma_start3A_49 : memref<256x1024xf32, #tpu.memory_space<hbm>>) target_semaphore(%arg11 : memref<!tpu.dma_semaphore, #tpu.memory_space<semaphore_mem>>)
    %dma_wait3A = arith.constant 0 : i32
    %dma_wait3A_50 = arith.constant 0 : i32
    %dma_wait3A_51 = tpu.memref_slice %arg3[%dma_wait3A, %dma_wait3A_50] : memref<128x1024xf32, #tpu.memory_space<hbm>> -> memref<128x1024xf32, #tpu.memory_space<hbm>>
    tpu.wait_indirect_dma semaphore(%arg10 : memref<!tpu.dma_semaphore, #tpu.memory_space<semaphore_mem>>) src(%dma_wait3A_51 : memref<128x1024xf32, #tpu.memory_space<hbm>>) dst(%arg6 : memref<16x1024xf32, #tpu.memory_space<vmem>>)
    %mul3A_52 = arith.constant 4 : i32
    %mul3A_53 = arith.muli %add3A, %mul3A_52 : i32
    %add3A_54 = arith.constant 0 : i32
    %add3A_55 = arith.addi %mul3A_53, %add3A_54 : i32
    %mul3A_56 = arith.constant 64 : i32
    %mul3A_57 = arith.muli %add3A_55, %mul3A_56 : i32
    %add3A_58 = arith.constant 0 : i32
    %add3A_59 = arith.addi %mul3A_57, %add3A_58 : i32
    %dma_start3A_60 = arith.constant 0 : i32
    %dma_start3A_61 = arith.constant 1024 : i32
    %dma_start3A_62 = tpu.memref_slice %arg4[%dma_start3A_60, %add3A_59, %dma_start3A_61] : memref<1x8192x2048xf32, #tpu.memory_space<hbm>> -> memref<1x16x1024xf32, #tpu.memory_space<hbm>>
    %dma_start3A_63 = tpu.memref_squeeze %dma_start3A_62 : memref<1x16x1024xf32, #tpu.memory_space<hbm>> -> memref<16x1024xf32, #tpu.memory_space<hbm>>
    %dma_start3A_64 = arith.constant 1024 : i32
    %dma_start3A_65 = tpu.memref_slice %arg4[%dma_start3A_60, %add3A_59, %dma_start3A_64] : memref<1x8192x2048xf32, #tpu.memory_space<hbm>> -> memref<1x16x1024xf32, #tpu.memory_space<hbm>>
    %dma_start3A_66 = tpu.memref_squeeze %dma_start3A_65 : memref<1x16x1024xf32, #tpu.memory_space<hbm>> -> memref<16x1024xf32, #tpu.memory_space<hbm>>
    tpu.enqueue_dma source(%arg6 : memref<16x1024xf32, #tpu.memory_space<vmem>>) target(%dma_start3A_66 : memref<16x1024xf32, #tpu.memory_space<hbm>>) target_semaphore(%arg12 : memref<!tpu.dma_semaphore, #tpu.memory_space<semaphore_mem>>)
    %add3A_67 = arith.constant 16 : i32
    %add3A_68 = arith.addi %mul3A_57, %add3A_67 : i32
    %dma_start3A_69 = arith.constant 0 : i32
    %dma_start3A_70 = arith.constant 1024 : i32
    %dma_start3A_71 = tpu.memref_slice %arg4[%dma_start3A_69, %add3A_68, %dma_start3A_70] : memref<1x8192x2048xf32, #tpu.memory_space<hbm>> -> memref<1x16x1024xf32, #tpu.memory_space<hbm>>
    %dma_start3A_72 = tpu.memref_squeeze %dma_start3A_71 : memref<1x16x1024xf32, #tpu.memory_space<hbm>> -> memref<16x1024xf32, #tpu.memory_space<hbm>>
    %dma_start3A_73 = arith.constant 1024 : i32
    %dma_start3A_74 = tpu.memref_slice %arg4[%dma_start3A_69, %add3A_68, %dma_start3A_73] : memref<1x8192x2048xf32, #tpu.memory_space<hbm>> -> memref<1x16x1024xf32, #tpu.memory_space<hbm>>
    %dma_start3A_75 = tpu.memref_squeeze %dma_start3A_74 : memref<1x16x1024xf32, #tpu.memory_space<hbm>> -> memref<16x1024xf32, #tpu.memory_space<hbm>>
    tpu.enqueue_dma source(%arg6 : memref<16x1024xf32, #tpu.memory_space<vmem>>) target(%dma_start3A_75 : memref<16x1024xf32, #tpu.memory_space<hbm>>) target_semaphore(%arg12 : memref<!tpu.dma_semaphore, #tpu.memory_space<semaphore_mem>>)
    %add3A_76 = arith.constant 32 : i32
    %add3A_77 = arith.addi %mul3A_57, %add3A_76 : i32
    %dma_start3A_78 = arith.constant 0 : i32
    %dma_start3A_79 = arith.constant 1024 : i32
    %dma_start3A_80 = tpu.memref_slice %arg4[%dma_start3A_78, %add3A_77, %dma_start3A_79] : memref<1x8192x2048xf32, #tpu.memory_space<hbm>> -> memref<1x16x1024xf32, #tpu.memory_space<hbm>>
    %dma_start3A_81 = tpu.memref_squeeze %dma_start3A_80 : memref<1x16x1024xf32, #tpu.memory_space<hbm>> -> memref<16x1024xf32, #tpu.memory_space<hbm>>
    %dma_start3A_82 = arith.constant 1024 : i32
    %dma_start3A_83 = tpu.memref_slice %arg4[%dma_start3A_78, %add3A_77, %dma_start3A_82] : memref<1x8192x2048xf32, #tpu.memory_space<hbm>> -> memref<1x16x1024xf32, #tpu.memory_space<hbm>>
    %dma_start3A_84 = tpu.memref_squeeze %dma_start3A_83 : memref<1x16x1024xf32, #tpu.memory_space<hbm>> -> memref<16x1024xf32, #tpu.memory_space<hbm>>
    tpu.enqueue_dma source(%arg6 : memref<16x1024xf32, #tpu.memory_space<vmem>>) target(%dma_start3A_84 : memref<16x1024xf32, #tpu.memory_space<hbm>>) target_semaphore(%arg12 : memref<!tpu.dma_semaphore, #tpu.memory_space<semaphore_mem>>)
    %add3A_85 = arith.constant 48 : i32
    %add3A_86 = arith.addi %mul3A_57, %add3A_85 : i32
    %dma_start3A_87 = arith.constant 0 : i32
    %dma_start3A_88 = arith.constant 1024 : i32
    %dma_start3A_89 = tpu.memref_slice %arg4[%dma_start3A_87, %add3A_86, %dma_start3A_88] : memref<1x8192x2048xf32, #tpu.memory_space<hbm>> -> memref<1x16x1024xf32, #tpu.memory_space<hbm>>
    %dma_start3A_90 = tpu.memref_squeeze %dma_start3A_89 : memref<1x16x1024xf32, #tpu.memory_space<hbm>> -> memref<16x1024xf32, #tpu.memory_space<hbm>>
    %dma_start3A_91 = arith.constant 1024 : i32
    %dma_start3A_92 = tpu.memref_slice %arg4[%dma_start3A_87, %add3A_86, %dma_start3A_91] : memref<1x8192x2048xf32, #tpu.memory_space<hbm>> -> memref<1x16x1024xf32, #tpu.memory_space<hbm>>
    %dma_start3A_93 = tpu.memref_squeeze %dma_start3A_92 : memref<1x16x1024xf32, #tpu.memory_space<hbm>> -> memref<16x1024xf32, #tpu.memory_space<hbm>>
    tpu.enqueue_dma source(%arg6 : memref<16x1024xf32, #tpu.memory_space<vmem>>) target(%dma_start3A_93 : memref<16x1024xf32, #tpu.memory_space<hbm>>) target_semaphore(%arg12 : memref<!tpu.dma_semaphore, #tpu.memory_space<semaphore_mem>>)
    %dma_wait3A_94 = arith.constant 0 : i32
    %dma_wait3A_95 = arith.constant 0 : i32
    %dma_wait3A_96 = tpu.memref_slice %arg3[%dma_wait3A_94, %dma_wait3A_95] : memref<128x1024xf32, #tpu.memory_space<hbm>> -> memref<128x1024xf32, #tpu.memory_space<hbm>>
    tpu.wait_indirect_dma semaphore(%arg10 : memref<!tpu.dma_semaphore, #tpu.memory_space<semaphore_mem>>) src(%dma_wait3A_96 : memref<128x1024xf32, #tpu.memory_space<hbm>>) dst(%arg7 : memref<16x1024xf32, #tpu.memory_space<vmem>>)
    %mul3A_97 = arith.constant 4 : i32
    %mul3A_98 = arith.muli %add3A, %mul3A_97 : i32
    %add3A_99 = arith.constant 1 : i32
    %add3A_100 = arith.addi %mul3A_98, %add3A_99 : i32
    %mul3A_101 = arith.constant 64 : i32
    %mul3A_102 = arith.muli %add3A_100, %mul3A_101 : i32
    %add3A_103 = arith.constant 0 : i32
    %add3A_104 = arith.addi %mul3A_102, %add3A_103 : i32
    %dma_start3A_105 = arith.constant 0 : i32
    %dma_start3A_106 = arith.constant 1024 : i32
    %dma_start3A_107 = tpu.memref_slice %arg4[%dma_start3A_105, %add3A_104, %dma_start3A_106] : memref<1x8192x2048xf32, #tpu.memory_space<hbm>> -> memref<1x16x1024xf32, #tpu.memory_space<hbm>>
    %dma_start3A_108 = tpu.memref_squeeze %dma_start3A_107 : memref<1x16x1024xf32, #tpu.memory_space<hbm>> -> memref<16x1024xf32, #tpu.memory_space<hbm>>
    %dma_start3A_109 = arith.constant 1024 : i32
    %dma_start3A_110 = tpu.memref_slice %arg4[%dma_start3A_105, %add3A_104, %dma_start3A_109] : memref<1x8192x2048xf32, #tpu.memory_space<hbm>> -> memref<1x16x1024xf32, #tpu.memory_space<hbm>>
    %dma_start3A_111 = tpu.memref_squeeze %dma_start3A_110 : memref<1x16x1024xf32, #tpu.memory_space<hbm>> -> memref<16x1024xf32, #tpu.memory_space<hbm>>
    tpu.enqueue_dma source(%arg7 : memref<16x1024xf32, #tpu.memory_space<vmem>>) target(%dma_start3A_111 : memref<16x1024xf32, #tpu.memory_space<hbm>>) target_semaphore(%arg12 : memref<!tpu.dma_semaphore, #tpu.memory_space<semaphore_mem>>)
    %add3A_112 = arith.constant 16 : i32
    %add3A_113 = arith.addi %mul3A_102, %add3A_112 : i32
    %dma_start3A_114 = arith.constant 0 : i32
    %dma_start3A_115 = arith.constant 1024 : i32
    %dma_start3A_116 = tpu.memref_slice %arg4[%dma_start3A_114, %add3A_113, %dma_start3A_115] : memref<1x8192x2048xf32, #tpu.memory_space<hbm>> -> memref<1x16x1024xf32, #tpu.memory_space<hbm>>
    %dma_start3A_117 = tpu.memref_squeeze %dma_start3A_116 : memref<1x16x1024xf32, #tpu.memory_space<hbm>> -> memref<16x1024xf32, #tpu.memory_space<hbm>>
    %dma_start3A_118 = arith.constant 1024 : i32
    %dma_start3A_119 = tpu.memref_slice %arg4[%dma_start3A_114, %add3A_113, %dma_start3A_118] : memref<1x8192x2048xf32, #tpu.memory_space<hbm>> -> memref<1x16x1024xf32, #tpu.memory_space<hbm>>
    %dma_start3A_120 = tpu.memref_squeeze %dma_start3A_119 : memref<1x16x1024xf32, #tpu.memory_space<hbm>> -> memref<16x1024xf32, #tpu.memory_space<hbm>>
    tpu.enqueue_dma source(%arg7 : memref<16x1024xf32, #tpu.memory_space<vmem>>) target(%dma_start3A_120 : memref<16x1024xf32, #tpu.memory_space<hbm>>) target_semaphore(%arg12 : memref<!tpu.dma_semaphore, #tpu.memory_space<semaphore_mem>>)
    %add3A_121 = arith.constant 32 : i32
    %add3A_122 = arith.addi %mul3A_102, %add3A_121 : i32
    %dma_start3A_123 = arith.constant 0 : i32
    %dma_start3A_124 = arith.constant 1024 : i32
    %dma_start3A_125 = tpu.memref_slice %arg4[%dma_start3A_123, %add3A_122, %dma_start3A_124] : memref<1x8192x2048xf32, #tpu.memory_space<hbm>> -> memref<1x16x1024xf32, #tpu.memory_space<hbm>>
    %dma_start3A_126 = tpu.memref_squeeze %dma_start3A_125 : memref<1x16x1024xf32, #tpu.memory_space<hbm>> -> memref<16x1024xf32, #tpu.memory_space<hbm>>
    %dma_start3A_127 = arith.constant 1024 : i32
    %dma_start3A_128 = tpu.memref_slice %arg4[%dma_start3A_123, %add3A_122, %dma_start3A_127] : memref<1x8192x2048xf32, #tpu.memory_space<hbm>> -> memref<1x16x1024xf32, #tpu.memory_space<hbm>>
    %dma_start3A_129 = tpu.memref_squeeze %dma_start3A_128 : memref<1x16x1024xf32, #tpu.memory_space<hbm>> -> memref<16x1024xf32, #tpu.memory_space<hbm>>
    tpu.enqueue_dma source(%arg7 : memref<16x1024xf32, #tpu.memory_space<vmem>>) target(%dma_start3A_129 : memref<16x1024xf32, #tpu.memory_space<hbm>>) target_semaphore(%arg12 : memref<!tpu.dma_semaphore, #tpu.memory_space<semaphore_mem>>)
    %add3A_130 = arith.constant 48 : i32
    %add3A_131 = arith.addi %mul3A_102, %add3A_130 : i32
    %dma_start3A_132 = arith.constant 0 : i32
    %dma_start3A_133 = arith.constant 1024 : i32
    %dma_start3A_134 = tpu.memref_slice %arg4[%dma_start3A_132, %add3A_131, %dma_start3A_133] : memref<1x8192x2048xf32, #tpu.memory_space<hbm>> -> memref<1x16x1024xf32, #tpu.memory_space<hbm>>
    %dma_start3A_135 = tpu.memref_squeeze %dma_start3A_134 : memref<1x16x1024xf32, #tpu.memory_space<hbm>> -> memref<16x1024xf32, #tpu.memory_space<hbm>>
    %dma_start3A_136 = arith.constant 1024 : i32
    %dma_start3A_137 = tpu.memref_slice %arg4[%dma_start3A_132, %add3A_131, %dma_start3A_136] : memref<1x8192x2048xf32, #tpu.memory_space<hbm>> -> memref<1x16x1024xf32, #tpu.memory_space<hbm>>
    %dma_start3A_138 = tpu.memref_squeeze %dma_start3A_137 : memref<1x16x1024xf32, #tpu.memory_space<hbm>> -> memref<16x1024xf32, #tpu.memory_space<hbm>>
    tpu.enqueue_dma source(%arg7 : memref<16x1024xf32, #tpu.memory_space<vmem>>) target(%dma_start3A_138 : memref<16x1024xf32, #tpu.memory_space<hbm>>) target_semaphore(%arg12 : memref<!tpu.dma_semaphore, #tpu.memory_space<semaphore_mem>>)
    %dma_wait3A_139 = arith.constant 0 : i32
    %dma_wait3A_140 = arith.constant 0 : i32
    %dma_wait3A_141 = tpu.memref_slice %arg3[%dma_wait3A_139, %dma_wait3A_140] : memref<128x1024xf32, #tpu.memory_space<hbm>> -> memref<128x1024xf32, #tpu.memory_space<hbm>>
    tpu.wait_indirect_dma semaphore(%arg10 : memref<!tpu.dma_semaphore, #tpu.memory_space<semaphore_mem>>) src(%dma_wait3A_141 : memref<128x1024xf32, #tpu.memory_space<hbm>>) dst(%arg8 : memref<16x1024xf32, #tpu.memory_space<vmem>>)
    %mul3A_142 = arith.constant 4 : i32
    %mul3A_143 = arith.muli %add3A, %mul3A_142 : i32
    %add3A_144 = arith.constant 2 : i32
    %add3A_145 = arith.addi %mul3A_143, %add3A_144 : i32
    %mul3A_146 = arith.constant 64 : i32
    %mul3A_147 = arith.muli %add3A_145, %mul3A_146 : i32
    %add3A_148 = arith.constant 0 : i32
    %add3A_149 = arith.addi %mul3A_147, %add3A_148 : i32
    %dma_start3A_150 = arith.constant 0 : i32
    %dma_start3A_151 = arith.constant 1024 : i32
    %dma_start3A_152 = tpu.memref_slice %arg4[%dma_start3A_150, %add3A_149, %dma_start3A_151] : memref<1x8192x2048xf32, #tpu.memory_space<hbm>> -> memref<1x16x1024xf32, #tpu.memory_space<hbm>>
    %dma_start3A_153 = tpu.memref_squeeze %dma_start3A_152 : memref<1x16x1024xf32, #tpu.memory_space<hbm>> -> memref<16x1024xf32, #tpu.memory_space<hbm>>
    %dma_start3A_154 = arith.constant 1024 : i32
    %dma_start3A_155 = tpu.memref_slice %arg4[%dma_start3A_150, %add3A_149, %dma_start3A_154] : memref<1x8192x2048xf32, #tpu.memory_space<hbm>> -> memref<1x16x1024xf32, #tpu.memory_space<hbm>>
    %dma_start3A_156 = tpu.memref_squeeze %dma_start3A_155 : memref<1x16x1024xf32, #tpu.memory_space<hbm>> -> memref<16x1024xf32, #tpu.memory_space<hbm>>
    tpu.enqueue_dma source(%arg8 : memref<16x1024xf32, #tpu.memory_space<vmem>>) target(%dma_start3A_156 : memref<16x1024xf32, #tpu.memory_space<hbm>>) target_semaphore(%arg12 : memref<!tpu.dma_semaphore, #tpu.memory_space<semaphore_mem>>)
    %add3A_157 = arith.constant 16 : i32
    %add3A_158 = arith.addi %mul3A_147, %add3A_157 : i32
    %dma_start3A_159 = arith.constant 0 : i32
    %dma_start3A_160 = arith.constant 1024 : i32
    %dma_start3A_161 = tpu.memref_slice %arg4[%dma_start3A_159, %add3A_158, %dma_start3A_160] : memref<1x8192x2048xf32, #tpu.memory_space<hbm>> -> memref<1x16x1024xf32, #tpu.memory_space<hbm>>
    %dma_start3A_162 = tpu.memref_squeeze %dma_start3A_161 : memref<1x16x1024xf32, #tpu.memory_space<hbm>> -> memref<16x1024xf32, #tpu.memory_space<hbm>>
    %dma_start3A_163 = arith.constant 1024 : i32
    %dma_start3A_164 = tpu.memref_slice %arg4[%dma_start3A_159, %add3A_158, %dma_start3A_163] : memref<1x8192x2048xf32, #tpu.memory_space<hbm>> -> memref<1x16x1024xf32, #tpu.memory_space<hbm>>
    %dma_start3A_165 = tpu.memref_squeeze %dma_start3A_164 : memref<1x16x1024xf32, #tpu.memory_space<hbm>> -> memref<16x1024xf32, #tpu.memory_space<hbm>>
    tpu.enqueue_dma source(%arg8 : memref<16x1024xf32, #tpu.memory_space<vmem>>) target(%dma_start3A_165 : memref<16x1024xf32, #tpu.memory_space<hbm>>) target_semaphore(%arg12 : memref<!tpu.dma_semaphore, #tpu.memory_space<semaphore_mem>>)
    %add3A_166 = arith.constant 32 : i32
    %add3A_167 = arith.addi %mul3A_147, %add3A_166 : i32
    %dma_start3A_168 = arith.constant 0 : i32
    %dma_start3A_169 = arith.constant 1024 : i32
    %dma_start3A_170 = tpu.memref_slice %arg4[%dma_start3A_168, %add3A_167, %dma_start3A_169] : memref<1x8192x2048xf32, #tpu.memory_space<hbm>> -> memref<1x16x1024xf32, #tpu.memory_space<hbm>>
    %dma_start3A_171 = tpu.memref_squeeze %dma_start3A_170 : memref<1x16x1024xf32, #tpu.memory_space<hbm>> -> memref<16x1024xf32, #tpu.memory_space<hbm>>
    %dma_start3A_172 = arith.constant 1024 : i32
    %dma_start3A_173 = tpu.memref_slice %arg4[%dma_start3A_168, %add3A_167, %dma_start3A_172] : memref<1x8192x2048xf32, #tpu.memory_space<hbm>> -> memref<1x16x1024xf32, #tpu.memory_space<hbm>>
    %dma_start3A_174 = tpu.memref_squeeze %dma_start3A_173 : memref<1x16x1024xf32, #tpu.memory_space<hbm>> -> memref<16x1024xf32, #tpu.memory_space<hbm>>
    tpu.enqueue_dma source(%arg8 : memref<16x1024xf32, #tpu.memory_space<vmem>>) target(%dma_start3A_174 : memref<16x1024xf32, #tpu.memory_space<hbm>>) target_semaphore(%arg12 : memref<!tpu.dma_semaphore, #tpu.memory_space<semaphore_mem>>)
    %add3A_175 = arith.constant 48 : i32
    %add3A_176 = arith.addi %mul3A_147, %add3A_175 : i32
    %dma_start3A_177 = arith.constant 0 : i32
    %dma_start3A_178 = arith.constant 1024 : i32
    %dma_start3A_179 = tpu.memref_slice %arg4[%dma_start3A_177, %add3A_176, %dma_start3A_178] : memref<1x8192x2048xf32, #tpu.memory_space<hbm>> -> memref<1x16x1024xf32, #tpu.memory_space<hbm>>
    %dma_start3A_180 = tpu.memref_squeeze %dma_start3A_179 : memref<1x16x1024xf32, #tpu.memory_space<hbm>> -> memref<16x1024xf32, #tpu.memory_space<hbm>>
    %dma_start3A_181 = arith.constant 1024 : i32
    %dma_start3A_182 = tpu.memref_slice %arg4[%dma_start3A_177, %add3A_176, %dma_start3A_181] : memref<1x8192x2048xf32, #tpu.memory_space<hbm>> -> memref<1x16x1024xf32, #tpu.memory_space<hbm>>
    %dma_start3A_183 = tpu.memref_squeeze %dma_start3A_182 : memref<1x16x1024xf32, #tpu.memory_space<hbm>> -> memref<16x1024xf32, #tpu.memory_space<hbm>>
    tpu.enqueue_dma source(%arg8 : memref<16x1024xf32, #tpu.memory_space<vmem>>) target(%dma_start3A_183 : memref<16x1024xf32, #tpu.memory_space<hbm>>) target_semaphore(%arg12 : memref<!tpu.dma_semaphore, #tpu.memory_space<semaphore_mem>>)
    %dma_wait3A_184 = arith.constant 0 : i32
    %dma_wait3A_185 = arith.constant 0 : i32
    %dma_wait3A_186 = tpu.memref_slice %arg3[%dma_wait3A_184, %dma_wait3A_185] : memref<128x1024xf32, #tpu.memory_space<hbm>> -> memref<128x1024xf32, #tpu.memory_space<hbm>>
    tpu.wait_indirect_dma semaphore(%arg10 : memref<!tpu.dma_semaphore, #tpu.memory_space<semaphore_mem>>) src(%dma_wait3A_186 : memref<128x1024xf32, #tpu.memory_space<hbm>>) dst(%arg9 : memref<16x1024xf32, #tpu.memory_space<vmem>>)
    %mul3A_187 = arith.constant 4 : i32
    %mul3A_188 = arith.muli %add3A, %mul3A_187 : i32
    %add3A_189 = arith.constant 3 : i32
    %add3A_190 = arith.addi %mul3A_188, %add3A_189 : i32
    %mul3A_191 = arith.constant 64 : i32
    %mul3A_192 = arith.muli %add3A_190, %mul3A_191 : i32
    %add3A_193 = arith.constant 0 : i32
    %add3A_194 = arith.addi %mul3A_192, %add3A_193 : i32
    %dma_start3A_195 = arith.constant 0 : i32
    %dma_start3A_196 = arith.constant 1024 : i32
    %dma_start3A_197 = tpu.memref_slice %arg4[%dma_start3A_195, %add3A_194, %dma_start3A_196] : memref<1x8192x2048xf32, #tpu.memory_space<hbm>> -> memref<1x16x1024xf32, #tpu.memory_space<hbm>>
    %dma_start3A_198 = tpu.memref_squeeze %dma_start3A_197 : memref<1x16x1024xf32, #tpu.memory_space<hbm>> -> memref<16x1024xf32, #tpu.memory_space<hbm>>
    %dma_start3A_199 = arith.constant 1024 : i32
    %dma_start3A_200 = tpu.memref_slice %arg4[%dma_start3A_195, %add3A_194, %dma_start3A_199] : memref<1x8192x2048xf32, #tpu.memory_space<hbm>> -> memref<1x16x1024xf32, #tpu.memory_space<hbm>>
    %dma_start3A_201 = tpu.memref_squeeze %dma_start3A_200 : memref<1x16x1024xf32, #tpu.memory_space<hbm>> -> memref<16x1024xf32, #tpu.memory_space<hbm>>
    tpu.enqueue_dma source(%arg9 : memref<16x1024xf32, #tpu.memory_space<vmem>>) target(%dma_start3A_201 : memref<16x1024xf32, #tpu.memory_space<hbm>>) target_semaphore(%arg12 : memref<!tpu.dma_semaphore, #tpu.memory_space<semaphore_mem>>)
    %add3A_202 = arith.constant 16 : i32
    %add3A_203 = arith.addi %mul3A_192, %add3A_202 : i32
    %dma_start3A_204 = arith.constant 0 : i32
    %dma_start3A_205 = arith.constant 1024 : i32
    %dma_start3A_206 = tpu.memref_slice %arg4[%dma_start3A_204, %add3A_203, %dma_start3A_205] : memref<1x8192x2048xf32, #tpu.memory_space<hbm>> -> memref<1x16x1024xf32, #tpu.memory_space<hbm>>
    %dma_start3A_207 = tpu.memref_squeeze %dma_start3A_206 : memref<1x16x1024xf32, #tpu.memory_space<hbm>> -> memref<16x1024xf32, #tpu.memory_space<hbm>>
    %dma_start3A_208 = arith.constant 1024 : i32
    %dma_start3A_209 = tpu.memref_slice %arg4[%dma_start3A_204, %add3A_203, %dma_start3A_208] : memref<1x8192x2048xf32, #tpu.memory_space<hbm>> -> memref<1x16x1024xf32, #tpu.memory_space<hbm>>
    %dma_start3A_210 = tpu.memref_squeeze %dma_start3A_209 : memref<1x16x1024xf32, #tpu.memory_space<hbm>> -> memref<16x1024xf32, #tpu.memory_space<hbm>>
    tpu.enqueue_dma source(%arg9 : memref<16x1024xf32, #tpu.memory_space<vmem>>) target(%dma_start3A_210 : memref<16x1024xf32, #tpu.memory_space<hbm>>) target_semaphore(%arg12 : memref<!tpu.dma_semaphore, #tpu.memory_space<semaphore_mem>>)
    %add3A_211 = arith.constant 32 : i32
    %add3A_212 = arith.addi %mul3A_192, %add3A_211 : i32
    %dma_start3A_213 = arith.constant 0 : i32
    %dma_start3A_214 = arith.constant 1024 : i32
    %dma_start3A_215 = tpu.memref_slice %arg4[%dma_start3A_213, %add3A_212, %dma_start3A_214] : memref<1x8192x2048xf32, #tpu.memory_space<hbm>> -> memref<1x16x1024xf32, #tpu.memory_space<hbm>>
    %dma_start3A_216 = tpu.memref_squeeze %dma_start3A_215 : memref<1x16x1024xf32, #tpu.memory_space<hbm>> -> memref<16x1024xf32, #tpu.memory_space<hbm>>
    %dma_start3A_217 = arith.constant 1024 : i32
    %dma_start3A_218 = tpu.memref_slice %arg4[%dma_start3A_213, %add3A_212, %dma_start3A_217] : memref<1x8192x2048xf32, #tpu.memory_space<hbm>> -> memref<1x16x1024xf32, #tpu.memory_space<hbm>>
    %dma_start3A_219 = tpu.memref_squeeze %dma_start3A_218 : memref<1x16x1024xf32, #tpu.memory_space<hbm>> -> memref<16x1024xf32, #tpu.memory_space<hbm>>
    tpu.enqueue_dma source(%arg9 : memref<16x1024xf32, #tpu.memory_space<vmem>>) target(%dma_start3A_219 : memref<16x1024xf32, #tpu.memory_space<hbm>>) target_semaphore(%arg12 : memref<!tpu.dma_semaphore, #tpu.memory_space<semaphore_mem>>)
    %add3A_220 = arith.constant 48 : i32
    %add3A_221 = arith.addi %mul3A_192, %add3A_220 : i32
    %dma_start3A_222 = arith.constant 0 : i32
    %dma_start3A_223 = arith.constant 1024 : i32
    %dma_start3A_224 = tpu.memref_slice %arg4[%dma_start3A_222, %add3A_221, %dma_start3A_223] : memref<1x8192x2048xf32, #tpu.memory_space<hbm>> -> memref<1x16x1024xf32, #tpu.memory_space<hbm>>
    %dma_start3A_225 = tpu.memref_squeeze %dma_start3A_224 : memref<1x16x1024xf32, #tpu.memory_space<hbm>> -> memref<16x1024xf32, #tpu.memory_space<hbm>>
    %dma_start3A_226 = arith.constant 1024 : i32
    %dma_start3A_227 = tpu.memref_slice %arg4[%dma_start3A_222, %add3A_221, %dma_start3A_226] : memref<1x8192x2048xf32, #tpu.memory_space<hbm>> -> memref<1x16x1024xf32, #tpu.memory_space<hbm>>
    %dma_start3A_228 = tpu.memref_squeeze %dma_start3A_227 : memref<1x16x1024xf32, #tpu.memory_space<hbm>> -> memref<16x1024xf32, #tpu.memory_space<hbm>>
    tpu.enqueue_dma source(%arg9 : memref<16x1024xf32, #tpu.memory_space<vmem>>) target(%dma_start3A_228 : memref<16x1024xf32, #tpu.memory_space<hbm>>) target_semaphore(%arg12 : memref<!tpu.dma_semaphore, #tpu.memory_space<semaphore_mem>>)
    %dma_wait3A_229 = arith.constant 0 : i32
    %dma_wait3A_230 = arith.constant 1024 : i32
    %dma_wait3A_231 = tpu.memref_slice %arg4[%dma_wait3A_229, %add3A_59, %dma_wait3A_230] : memref<1x8192x2048xf32, #tpu.memory_space<hbm>> -> memref<1x16x1024xf32, #tpu.memory_space<hbm>>
    %dma_wait3A_232 = tpu.memref_squeeze %dma_wait3A_231 : memref<1x16x1024xf32, #tpu.memory_space<hbm>> -> memref<16x1024xf32, #tpu.memory_space<hbm>>
    %dma_wait3A_233 = arith.constant 1024 : i32
    %dma_wait3A_234 = tpu.memref_slice %arg4[%dma_wait3A_229, %add3A_59, %dma_wait3A_233] : memref<1x8192x2048xf32, #tpu.memory_space<hbm>> -> memref<1x16x1024xf32, #tpu.memory_space<hbm>>
    %dma_wait3A_235 = tpu.memref_squeeze %dma_wait3A_234 : memref<1x16x1024xf32, #tpu.memory_space<hbm>> -> memref<16x1024xf32, #tpu.memory_space<hbm>>
    tpu.wait_dma2 semaphore(%arg12 : memref<!tpu.dma_semaphore, #tpu.memory_space<semaphore_mem>>) src(%arg6 : memref<16x1024xf32, #tpu.memory_space<vmem>>) dst(%dma_wait3A_235 : memref<16x1024xf32, #tpu.memory_space<hbm>>)
    %dma_wait3A_236 = arith.constant 0 : i32
    %dma_wait3A_237 = arith.constant 1024 : i32
    %dma_wait3A_238 = tpu.memref_slice %arg4[%dma_wait3A_236, %add3A_68, %dma_wait3A_237] : memref<1x8192x2048xf32, #tpu.memory_space<hbm>> -> memref<1x16x1024xf32, #tpu.memory_space<hbm>>
    %dma_wait3A_239 = tpu.memref_squeeze %dma_wait3A_238 : memref<1x16x1024xf32, #tpu.memory_space<hbm>> -> memref<16x1024xf32, #tpu.memory_space<hbm>>
    %dma_wait3A_240 = arith.constant 1024 : i32
    %dma_wait3A_241 = tpu.memref_slice %arg4[%dma_wait3A_236, %add3A_68, %dma_wait3A_240] : memref<1x8192x2048xf32, #tpu.memory_space<hbm>> -> memref<1x16x1024xf32, #tpu.memory_space<hbm>>
    %dma_wait3A_242 = tpu.memref_squeeze %dma_wait3A_241 : memref<1x16x1024xf32, #tpu.memory_space<hbm>> -> memref<16x1024xf32, #tpu.memory_space<hbm>>
    tpu.wait_dma2 semaphore(%arg12 : memref<!tpu.dma_semaphore, #tpu.memory_space<semaphore_mem>>) src(%arg6 : memref<16x1024xf32, #tpu.memory_space<vmem>>) dst(%dma_wait3A_242 : memref<16x1024xf32, #tpu.memory_space<hbm>>)
    %dma_wait3A_243 = arith.constant 0 : i32
    %dma_wait3A_244 = arith.constant 1024 : i32
    %dma_wait3A_245 = tpu.memref_slice %arg4[%dma_wait3A_243, %add3A_77, %dma_wait3A_244] : memref<1x8192x2048xf32, #tpu.memory_space<hbm>> -> memref<1x16x1024xf32, #tpu.memory_space<hbm>>
    %dma_wait3A_246 = tpu.memref_squeeze %dma_wait3A_245 : memref<1x16x1024xf32, #tpu.memory_space<hbm>> -> memref<16x1024xf32, #tpu.memory_space<hbm>>
    %dma_wait3A_247 = arith.constant 1024 : i32
    %dma_wait3A_248 = tpu.memref_slice %arg4[%dma_wait3A_243, %add3A_77, %dma_wait3A_247] : memref<1x8192x2048xf32, #tpu.memory_space<hbm>> -> memref<1x16x1024xf32, #tpu.memory_space<hbm>>
    %dma_wait3A_249 = tpu.memref_squeeze %dma_wait3A_248 : memref<1x16x1024xf32, #tpu.memory_space<hbm>> -> memref<16x1024xf32, #tpu.memory_space<hbm>>
    tpu.wait_dma2 semaphore(%arg12 : memref<!tpu.dma_semaphore, #tpu.memory_space<semaphore_mem>>) src(%arg6 : memref<16x1024xf32, #tpu.memory_space<vmem>>) dst(%dma_wait3A_249 : memref<16x1024xf32, #tpu.memory_space<hbm>>)
    %dma_wait3A_250 = arith.constant 0 : i32
    %dma_wait3A_251 = arith.constant 1024 : i32
    %dma_wait3A_252 = tpu.memref_slice %arg4[%dma_wait3A_250, %add3A_86, %dma_wait3A_251] : memref<1x8192x2048xf32, #tpu.memory_space<hbm>> -> memref<1x16x1024xf32, #tpu.memory_space<hbm>>
    %dma_wait3A_253 = tpu.memref_squeeze %dma_wait3A_252 : memref<1x16x1024xf32, #tpu.memory_space<hbm>> -> memref<16x1024xf32, #tpu.memory_space<hbm>>
    %dma_wait3A_254 = arith.constant 1024 : i32
    %dma_wait3A_255 = tpu.memref_slice %arg4[%dma_wait3A_250, %add3A_86, %dma_wait3A_254] : memref<1x8192x2048xf32, #tpu.memory_space<hbm>> -> memref<1x16x1024xf32, #tpu.memory_space<hbm>>
    %dma_wait3A_256 = tpu.memref_squeeze %dma_wait3A_255 : memref<1x16x1024xf32, #tpu.memory_space<hbm>> -> memref<16x1024xf32, #tpu.memory_space<hbm>>
    tpu.wait_dma2 semaphore(%arg12 : memref<!tpu.dma_semaphore, #tpu.memory_space<semaphore_mem>>) src(%arg6 : memref<16x1024xf32, #tpu.memory_space<vmem>>) dst(%dma_wait3A_256 : memref<16x1024xf32, #tpu.memory_space<hbm>>)
    %dma_wait3A_257 = arith.constant 0 : i32
    %dma_wait3A_258 = arith.constant 1024 : i32
    %dma_wait3A_259 = tpu.memref_slice %arg4[%dma_wait3A_257, %add3A_104, %dma_wait3A_258] : memref<1x8192x2048xf32, #tpu.memory_space<hbm>> -> memref<1x16x1024xf32, #tpu.memory_space<hbm>>
    %dma_wait3A_260 = tpu.memref_squeeze %dma_wait3A_259 : memref<1x16x1024xf32, #tpu.memory_space<hbm>> -> memref<16x1024xf32, #tpu.memory_space<hbm>>
    %dma_wait3A_261 = arith.constant 1024 : i32
    %dma_wait3A_262 = tpu.memref_slice %arg4[%dma_wait3A_257, %add3A_104, %dma_wait3A_261] : memref<1x8192x2048xf32, #tpu.memory_space<hbm>> -> memref<1x16x1024xf32, #tpu.memory_space<hbm>>
    %dma_wait3A_263 = tpu.memref_squeeze %dma_wait3A_262 : memref<1x16x1024xf32, #tpu.memory_space<hbm>> -> memref<16x1024xf32, #tpu.memory_space<hbm>>
    tpu.wait_dma2 semaphore(%arg12 : memref<!tpu.dma_semaphore, #tpu.memory_space<semaphore_mem>>) src(%arg7 : memref<16x1024xf32, #tpu.memory_space<vmem>>) dst(%dma_wait3A_263 : memref<16x1024xf32, #tpu.memory_space<hbm>>)
    %dma_wait3A_264 = arith.constant 0 : i32
    %dma_wait3A_265 = arith.constant 1024 : i32
    %dma_wait3A_266 = tpu.memref_slice %arg4[%dma_wait3A_264, %add3A_113, %dma_wait3A_265] : memref<1x8192x2048xf32, #tpu.memory_space<hbm>> -> memref<1x16x1024xf32, #tpu.memory_space<hbm>>
    %dma_wait3A_267 = tpu.memref_squeeze %dma_wait3A_266 : memref<1x16x1024xf32, #tpu.memory_space<hbm>> -> memref<16x1024xf32, #tpu.memory_space<hbm>>
    %dma_wait3A_268 = arith.constant 1024 : i32
    %dma_wait3A_269 = tpu.memref_slice %arg4[%dma_wait3A_264, %add3A_113, %dma_wait3A_268] : memref<1x8192x2048xf32, #tpu.memory_space<hbm>> -> memref<1x16x1024xf32, #tpu.memory_space<hbm>>
    %dma_wait3A_270 = tpu.memref_squeeze %dma_wait3A_269 : memref<1x16x1024xf32, #tpu.memory_space<hbm>> -> memref<16x1024xf32, #tpu.memory_space<hbm>>
    tpu.wait_dma2 semaphore(%arg12 : memref<!tpu.dma_semaphore, #tpu.memory_space<semaphore_mem>>) src(%arg7 : memref<16x1024xf32, #tpu.memory_space<vmem>>) dst(%dma_wait3A_270 : memref<16x1024xf32, #tpu.memory_space<hbm>>)
    %dma_wait3A_271 = arith.constant 0 : i32
    %dma_wait3A_272 = arith.constant 1024 : i32
    %dma_wait3A_273 = tpu.memref_slice %arg4[%dma_wait3A_271, %add3A_122, %dma_wait3A_272] : memref<1x8192x2048xf32, #tpu.memory_space<hbm>> -> memref<1x16x1024xf32, #tpu.memory_space<hbm>>
    %dma_wait3A_274 = tpu.memref_squeeze %dma_wait3A_273 : memref<1x16x1024xf32, #tpu.memory_space<hbm>> -> memref<16x1024xf32, #tpu.memory_space<hbm>>
    %dma_wait3A_275 = arith.constant 1024 : i32
    %dma_wait3A_276 = tpu.memref_slice %arg4[%dma_wait3A_271, %add3A_122, %dma_wait3A_275] : memref<1x8192x2048xf32, #tpu.memory_space<hbm>> -> memref<1x16x1024xf32, #tpu.memory_space<hbm>>
    %dma_wait3A_277 = tpu.memref_squeeze %dma_wait3A_276 : memref<1x16x1024xf32, #tpu.memory_space<hbm>> -> memref<16x1024xf32, #tpu.memory_space<hbm>>
    tpu.wait_dma2 semaphore(%arg12 : memref<!tpu.dma_semaphore, #tpu.memory_space<semaphore_mem>>) src(%arg7 : memref<16x1024xf32, #tpu.memory_space<vmem>>) dst(%dma_wait3A_277 : memref<16x1024xf32, #tpu.memory_space<hbm>>)
    %dma_wait3A_278 = arith.constant 0 : i32
    %dma_wait3A_279 = arith.constant 1024 : i32
    %dma_wait3A_280 = tpu.memref_slice %arg4[%dma_wait3A_278, %add3A_131, %dma_wait3A_279] : memref<1x8192x2048xf32, #tpu.memory_space<hbm>> -> memref<1x16x1024xf32, #tpu.memory_space<hbm>>
    %dma_wait3A_281 = tpu.memref_squeeze %dma_wait3A_280 : memref<1x16x1024xf32, #tpu.memory_space<hbm>> -> memref<16x1024xf32, #tpu.memory_space<hbm>>
    %dma_wait3A_282 = arith.constant 1024 : i32
    %dma_wait3A_283 = tpu.memref_slice %arg4[%dma_wait3A_278, %add3A_131, %dma_wait3A_282] : memref<1x8192x2048xf32, #tpu.memory_space<hbm>> -> memref<1x16x1024xf32, #tpu.memory_space<hbm>>
    %dma_wait3A_284 = tpu.memref_squeeze %dma_wait3A_283 : memref<1x16x1024xf32, #tpu.memory_space<hbm>> -> memref<16x1024xf32, #tpu.memory_space<hbm>>
    tpu.wait_dma2 semaphore(%arg12 : memref<!tpu.dma_semaphore, #tpu.memory_space<semaphore_mem>>) src(%arg7 : memref<16x1024xf32, #tpu.memory_space<vmem>>) dst(%dma_wait3A_284 : memref<16x1024xf32, #tpu.memory_space<hbm>>)
    %dma_wait3A_285 = arith.constant 0 : i32
    %dma_wait3A_286 = arith.constant 1024 : i32
    %dma_wait3A_287 = tpu.memref_slice %arg4[%dma_wait3A_285, %add3A_149, %dma_wait3A_286] : memref<1x8192x2048xf32, #tpu.memory_space<hbm>> -> memref<1x16x1024xf32, #tpu.memory_space<hbm>>
    %dma_wait3A_288 = tpu.memref_squeeze %dma_wait3A_287 : memref<1x16x1024xf32, #tpu.memory_space<hbm>> -> memref<16x1024xf32, #tpu.memory_space<hbm>>
    %dma_wait3A_289 = arith.constant 1024 : i32
    %dma_wait3A_290 = tpu.memref_slice %arg4[%dma_wait3A_285, %add3A_149, %dma_wait3A_289] : memref<1x8192x2048xf32, #tpu.memory_space<hbm>> -> memref<1x16x1024xf32, #tpu.memory_space<hbm>>
    %dma_wait3A_291 = tpu.memref_squeeze %dma_wait3A_290 : memref<1x16x1024xf32, #tpu.memory_space<hbm>> -> memref<16x1024xf32, #tpu.memory_space<hbm>>
    tpu.wait_dma2 semaphore(%arg12 : memref<!tpu.dma_semaphore, #tpu.memory_space<semaphore_mem>>) src(%arg8 : memref<16x1024xf32, #tpu.memory_space<vmem>>) dst(%dma_wait3A_291 : memref<16x1024xf32, #tpu.memory_space<hbm>>)
    %dma_wait3A_292 = arith.constant 0 : i32
    %dma_wait3A_293 = arith.constant 1024 : i32
    %dma_wait3A_294 = tpu.memref_slice %arg4[%dma_wait3A_292, %add3A_158, %dma_wait3A_293] : memref<1x8192x2048xf32, #tpu.memory_space<hbm>> -> memref<1x16x1024xf32, #tpu.memory_space<hbm>>
    %dma_wait3A_295 = tpu.memref_squeeze %dma_wait3A_294 : memref<1x16x1024xf32, #tpu.memory_space<hbm>> -> memref<16x1024xf32, #tpu.memory_space<hbm>>
    %dma_wait3A_296 = arith.constant 1024 : i32
    %dma_wait3A_297 = tpu.memref_slice %arg4[%dma_wait3A_292, %add3A_158, %dma_wait3A_296] : memref<1x8192x2048xf32, #tpu.memory_space<hbm>> -> memref<1x16x1024xf32, #tpu.memory_space<hbm>>
    %dma_wait3A_298 = tpu.memref_squeeze %dma_wait3A_297 : memref<1x16x1024xf32, #tpu.memory_space<hbm>> -> memref<16x1024xf32, #tpu.memory_space<hbm>>
    tpu.wait_dma2 semaphore(%arg12 : memref<!tpu.dma_semaphore, #tpu.memory_space<semaphore_mem>>) src(%arg8 : memref<16x1024xf32, #tpu.memory_space<vmem>>) dst(%dma_wait3A_298 : memref<16x1024xf32, #tpu.memory_space<hbm>>)
    %dma_wait3A_299 = arith.constant 0 : i32
    %dma_wait3A_300 = arith.constant 1024 : i32
    %dma_wait3A_301 = tpu.memref_slice %arg4[%dma_wait3A_299, %add3A_167, %dma_wait3A_300] : memref<1x8192x2048xf32, #tpu.memory_space<hbm>> -> memref<1x16x1024xf32, #tpu.memory_space<hbm>>
    %dma_wait3A_302 = tpu.memref_squeeze %dma_wait3A_301 : memref<1x16x1024xf32, #tpu.memory_space<hbm>> -> memref<16x1024xf32, #tpu.memory_space<hbm>>
    %dma_wait3A_303 = arith.constant 1024 : i32
    %dma_wait3A_304 = tpu.memref_slice %arg4[%dma_wait3A_299, %add3A_167, %dma_wait3A_303] : memref<1x8192x2048xf32, #tpu.memory_space<hbm>> -> memref<1x16x1024xf32, #tpu.memory_space<hbm>>
    %dma_wait3A_305 = tpu.memref_squeeze %dma_wait3A_304 : memref<1x16x1024xf32, #tpu.memory_space<hbm>> -> memref<16x1024xf32, #tpu.memory_space<hbm>>
    tpu.wait_dma2 semaphore(%arg12 : memref<!tpu.dma_semaphore, #tpu.memory_space<semaphore_mem>>) src(%arg8 : memref<16x1024xf32, #tpu.memory_space<vmem>>) dst(%dma_wait3A_305 : memref<16x1024xf32, #tpu.memory_space<hbm>>)
    %dma_wait3A_306 = arith.constant 0 : i32
    %dma_wait3A_307 = arith.constant 1024 : i32
    %dma_wait3A_308 = tpu.memref_slice %arg4[%dma_wait3A_306, %add3A_176, %dma_wait3A_307] : memref<1x8192x2048xf32, #tpu.memory_space<hbm>> -> memref<1x16x1024xf32, #tpu.memory_space<hbm>>
    %dma_wait3A_309 = tpu.memref_squeeze %dma_wait3A_308 : memref<1x16x1024xf32, #tpu.memory_space<hbm>> -> memref<16x1024xf32, #tpu.memory_space<hbm>>
    %dma_wait3A_310 = arith.constant 1024 : i32
    %dma_wait3A_311 = tpu.memref_slice %arg4[%dma_wait3A_306, %add3A_176, %dma_wait3A_310] : memref<1x8192x2048xf32, #tpu.memory_space<hbm>> -> memref<1x16x1024xf32, #tpu.memory_space<hbm>>
    %dma_wait3A_312 = tpu.memref_squeeze %dma_wait3A_311 : memref<1x16x1024xf32, #tpu.memory_space<hbm>> -> memref<16x1024xf32, #tpu.memory_space<hbm>>
    tpu.wait_dma2 semaphore(%arg12 : memref<!tpu.dma_semaphore, #tpu.memory_space<semaphore_mem>>) src(%arg8 : memref<16x1024xf32, #tpu.memory_space<vmem>>) dst(%dma_wait3A_312 : memref<16x1024xf32, #tpu.memory_space<hbm>>)
    %dma_wait3A_313 = arith.constant 0 : i32
    %dma_wait3A_314 = arith.constant 1024 : i32
    %dma_wait3A_315 = tpu.memref_slice %arg4[%dma_wait3A_313, %add3A_194, %dma_wait3A_314] : memref<1x8192x2048xf32, #tpu.memory_space<hbm>> -> memref<1x16x1024xf32, #tpu.memory_space<hbm>>
    %dma_wait3A_316 = tpu.memref_squeeze %dma_wait3A_315 : memref<1x16x1024xf32, #tpu.memory_space<hbm>> -> memref<16x1024xf32, #tpu.memory_space<hbm>>
    %dma_wait3A_317 = arith.constant 1024 : i32
    %dma_wait3A_318 = tpu.memref_slice %arg4[%dma_wait3A_313, %add3A_194, %dma_wait3A_317] : memref<1x8192x2048xf32, #tpu.memory_space<hbm>> -> memref<1x16x1024xf32, #tpu.memory_space<hbm>>
    %dma_wait3A_319 = tpu.memref_squeeze %dma_wait3A_318 : memref<1x16x1024xf32, #tpu.memory_space<hbm>> -> memref<16x1024xf32, #tpu.memory_space<hbm>>
    tpu.wait_dma2 semaphore(%arg12 : memref<!tpu.dma_semaphore, #tpu.memory_space<semaphore_mem>>) src(%arg9 : memref<16x1024xf32, #tpu.memory_space<vmem>>) dst(%dma_wait3A_319 : memref<16x1024xf32, #tpu.memory_space<hbm>>)
    %dma_wait3A_320 = arith.constant 0 : i32
    %dma_wait3A_321 = arith.constant 1024 : i32
    %dma_wait3A_322 = tpu.memref_slice %arg4[%dma_wait3A_320, %add3A_203, %dma_wait3A_321] : memref<1x8192x2048xf32, #tpu.memory_space<hbm>> -> memref<1x16x1024xf32, #tpu.memory_space<hbm>>
    %dma_wait3A_323 = tpu.memref_squeeze %dma_wait3A_322 : memref<1x16x1024xf32, #tpu.memory_space<hbm>> -> memref<16x1024xf32, #tpu.memory_space<hbm>>
    %dma_wait3A_324 = arith.constant 1024 : i32
    %dma_wait3A_325 = tpu.memref_slice %arg4[%dma_wait3A_320, %add3A_203, %dma_wait3A_324] : memref<1x8192x2048xf32, #tpu.memory_space<hbm>> -> memref<1x16x1024xf32, #tpu.memory_space<hbm>>
    %dma_wait3A_326 = tpu.memref_squeeze %dma_wait3A_325 : memref<1x16x1024xf32, #tpu.memory_space<hbm>> -> memref<16x1024xf32, #tpu.memory_space<hbm>>
    tpu.wait_dma2 semaphore(%arg12 : memref<!tpu.dma_semaphore, #tpu.memory_space<semaphore_mem>>) src(%arg9 : memref<16x1024xf32, #tpu.memory_space<vmem>>) dst(%dma_wait3A_326 : memref<16x1024xf32, #tpu.memory_space<hbm>>)
    %dma_wait3A_327 = arith.constant 0 : i32
    %dma_wait3A_328 = arith.constant 1024 : i32
    %dma_wait3A_329 = tpu.memref_slice %arg4[%dma_wait3A_327, %add3A_212, %dma_wait3A_328] : memref<1x8192x2048xf32, #tpu.memory_space<hbm>> -> memref<1x16x1024xf32, #tpu.memory_space<hbm>>
    %dma_wait3A_330 = tpu.memref_squeeze %dma_wait3A_329 : memref<1x16x1024xf32, #tpu.memory_space<hbm>> -> memref<16x1024xf32, #tpu.memory_space<hbm>>
    %dma_wait3A_331 = arith.constant 1024 : i32
    %dma_wait3A_332 = tpu.memref_slice %arg4[%dma_wait3A_327, %add3A_212, %dma_wait3A_331] : memref<1x8192x2048xf32, #tpu.memory_space<hbm>> -> memref<1x16x1024xf32, #tpu.memory_space<hbm>>
    %dma_wait3A_333 = tpu.memref_squeeze %dma_wait3A_332 : memref<1x16x1024xf32, #tpu.memory_space<hbm>> -> memref<16x1024xf32, #tpu.memory_space<hbm>>
    tpu.wait_dma2 semaphore(%arg12 : memref<!tpu.dma_semaphore, #tpu.memory_space<semaphore_mem>>) src(%arg9 : memref<16x1024xf32, #tpu.memory_space<vmem>>) dst(%dma_wait3A_333 : memref<16x1024xf32, #tpu.memory_space<hbm>>)
    %dma_wait3A_334 = arith.constant 0 : i32
    %dma_wait3A_335 = arith.constant 1024 : i32
    %dma_wait3A_336 = tpu.memref_slice %arg4[%dma_wait3A_334, %add3A_221, %dma_wait3A_335] : memref<1x8192x2048xf32, #tpu.memory_space<hbm>> -> memref<1x16x1024xf32, #tpu.memory_space<hbm>>
    %dma_wait3A_337 = tpu.memref_squeeze %dma_wait3A_336 : memref<1x16x1024xf32, #tpu.memory_space<hbm>> -> memref<16x1024xf32, #tpu.memory_space<hbm>>
    %dma_wait3A_338 = arith.constant 1024 : i32
    %dma_wait3A_339 = tpu.memref_slice %arg4[%dma_wait3A_334, %add3A_221, %dma_wait3A_338] : memref<1x8192x2048xf32, #tpu.memory_space<hbm>> -> memref<1x16x1024xf32, #tpu.memory_space<hbm>>
    %dma_wait3A_340 = tpu.memref_squeeze %dma_wait3A_339 : memref<1x16x1024xf32, #tpu.memory_space<hbm>> -> memref<16x1024xf32, #tpu.memory_space<hbm>>
    tpu.wait_dma2 semaphore(%arg12 : memref<!tpu.dma_semaphore, #tpu.memory_space<semaphore_mem>>) src(%arg9 : memref<16x1024xf32, #tpu.memory_space<vmem>>) dst(%dma_wait3A_340 : memref<16x1024xf32, #tpu.memory_space<hbm>>)
    %dma_wait3A_341 = arith.constant 0 : i32
    %dma_wait3A_342 = arith.constant 0 : i32
    %dma_wait3A_343 = tpu.memref_slice %arg4[%dma_wait3A_341, %mul3A_45, %dma_wait3A_342] : memref<1x8192x2048xf32, #tpu.memory_space<hbm>> -> memref<1x256x1024xf32, #tpu.memory_space<hbm>>
    %dma_wait3A_344 = tpu.memref_squeeze %dma_wait3A_343 : memref<1x256x1024xf32, #tpu.memory_space<hbm>> -> memref<256x1024xf32, #tpu.memory_space<hbm>>
    tpu.wait_dma2 semaphore(%arg11 : memref<!tpu.dma_semaphore, #tpu.memory_space<semaphore_mem>>) src(%arg5 : memref<256x1024xf32, #tpu.memory_space<vmem_shared>>) dst(%dma_wait3A_344 : memref<256x1024xf32, #tpu.memory_space<hbm>>)
    return
  }
}

</mosaic_0001>

<sc_bundles>
// kernel: kernel.3.cloned.1.call-start
scs
__scs_entry_jumppad:
0x0: {  	(pc) =	sbr.rel $0x88, $3  }
0x1: {  	(tag) =	ssettag $0x0;
	lr =	simm.s32 $0x1  }
0x2: {  	[smem:$0x3F9F] =	sst lr;
	_ =	strace $0xD0000000  }
0x3: {  	_ = 	snop  }
0x4: {  	_ = 	snop  }
0x5: {  	_ = 	snop  }
0x6: {  	_ = 	snop  }
0x7: {  	_ = 	snop  }
__scs_overlays_trampoline_lowered:
0x8: {  	[smem:$0x3FAE] =	sst s0  }
0x9: {  	[smem:$0x3FAF] =	sst s1  }
0xa: {  	[smem:$0x3FB0] =	sst s2  }
0xb: {  	[smem:$0x3FB1] =	sst s3  }
0xc: {  	[smem:$0x3FB2] =	sst s4  }
0xd: {  	[smem:$0x3FB3] =	sst s5  }
0xe: {  	[smem:$0x3FB4] =	sst s6  }
0xf: {  	[smem:$0x3FB5] =	sst s7  }
0x10: {  	[smem:$0x3FB6] =	sst s8  }
0x11: {  	[smem:$0x3FB7] =	sst s9;
	s0 =	simm.s32 @!p0 $0x0  }
0x12: {  	s1 =	sld [smem:$0x3F9D];
	s0 =	simm.s32 @p0 $0x1  }
0x13: {  	[smem:$0x3FB8] =	sst s0;
	s0 =	simm.s32 @!p1 $0x0  }
0x14: {  	s2 =	sld [smem:$0x3F9C];
	s0 =	simm.s32 @p1 $0x1  }
0x15: {  	[smem:$0x3FB9] =	sst s0;
	s0 =	simm.s32 @!p2 $0x0  }
0x16: {  	s3 =	sld [smem:$0x3FDB];
	s0 =	simm.s32 @p2 $0x1  }
0x17: {  	s4 =	simm.s32 $0x1BF5;
	[smem:$0x3FBB] =	sst s0  }
0x18: {  	s0 =	sld [smem:$0x3F9E];
	_ =	swait.ge [sflag:s4], $0x0  }
0x19: {  	s7 =	sld [smem:$0x3F9F]  }
0x1a: {  	s8 =	sadd.s32 $0xFFFFE003, lr  }
0x1b: {  	s9 =	sadd.s32 $0xFFFFFEF7, lr;
	s5 =	simm.s32 $0xFFFFFFFF;
	p2 =	slt.u32 s8, $0xFFFFF086  }
0x1c: {  	p1 =	slt.u32 s9, $0xF7A;
	s5 =	simm.s32 @!p2 $0x0  }
0x1d: {  	s5 =	simm.s32 @p1 $0x1;
	p0 =	seq.s32 s7, s2  }
0x1e: {  	s7 =	smul.u32 @!p0 $0xF7A, s2;
	p2 =	seq.s32 @!p0 s5, $0x0  }
0x1f: {  	s9 =	smul.u32 $0xF7A, s1;
	s8 =	simm.s32 @!p0 $0x1BF5;
	p2 =	por !p2, p0  }
0x20: {  	[sflag:s8] =	ssyncset.s32 @!p0 $0xFFFFF086;
	s6 =	sadd.s32 @!p0 s3, s7;
	s7 =	simm.s32 @!p0 $0x108  }
0x21: {  	s3 =	sadd.s32 s3, s9;
	s6 =	sadd.s32 @!p0 $0x88, s6;
	s7 =	simm.s32 @p2 $0x1082  }
0x22: {  	[simem:s7], [sflag:s8] =	dma.local @!p0 [hbm:s6], $0xF7A  }
0x23: {  	s9 =	sor.u32 $0xD0000000, s2;
	s6 =	simm.s32 $0x108;
	_ =	swait.ge @!p0 [sflag:s8], $0x0  }
0x24: {  	s3 =	sadd.s32 $0x88, s3;
	s6 =	simm.s32 @!p1 $0x1082;
	[sflag:s4] =	ssyncset.s32 $0xFFFFF086  }
0x25: {  	[simem:s6], [sflag:s4] =	dma.local [hbm:s3], $0xF7A  }
0x26: {  	[smem:$0x3F9F] =	sst s1;
	(tag) =	ssettag s2;
	_ =	strace s9  }
0x27: {  	s1 =	sld [smem:$0x3FAF]  }
0x28: {  	s2 =	sld [smem:$0x3FB0]  }
0x29: {  	s4 =	sld [smem:$0x3FB2]  }
0x2a: {  	p0 =	seq.s32 s5, $0x0;
	s5 =	sld [smem:$0x3FB3]  }
0x2b: {  	s6 =	sld [smem:$0x3FB4]  }
0x2c: {  	s7 =	sld [smem:$0x3FB5]  }
0x2d: {  	s3 =	simm.s32 $0x108;
	s8 =	sld [smem:$0x3FB6]  }
0x2e: {  	s3 =	simm.s32 @!p0 $0x1082;
	s9 =	sld [smem:$0x3FB7]  }
0x2f: {  	lr =	sadd.s32 s0, s3;
	s0 =	sld [smem:$0x3FAE]  }
0x30: {  	s3 =	sld [smem:$0x3FB1]  }
0x31: {  	[smem:$0x3FBA] =	sst s10  }
0x32: {  	s10 =	sld [smem:$0x3FB8];
	_ =	sdelay $0x3  }
0x33: {  	p0 =	seq.s32 s10, $0x1;
	s10 =	sld [smem:$0x3FBA];
	_ =	sdelay $0x3  }
0x34: {  	[smem:$0x3FBA] =	sst s10  }
0x35: {  	s10 =	sld [smem:$0x3FB9];
	_ =	sdelay $0x3  }
0x36: {  	p1 =	seq.s32 s10, $0x1;
	s10 =	sld [smem:$0x3FBA];
	_ =	sdelay $0x3  }
0x37: {  	[smem:$0x3FBA] =	sst s10  }
0x38: {  	s10 =	sld [smem:$0x3FBB]  }
0x39: {  	_ = 	snop;
	(pc) =	sbr.ind lr, $3  }
0x3a: {  	_ = 	snop  }
0x3b: {  	_ = 	snop  }
0x3c: {  	p2 =	seq.s32 s10, $0x1;
	s10 =	sld [smem:$0x3FBA]  }
0x3d: {  	_ =	shalt  }
0x3e: {  	_ =	shalt  }
0x3f: {  	_ =	shalt  }
0x40: {  	_ =	shalt  }
0x41: {  	_ =	shalt  }
0x42: {  	_ =	shalt  }
0x43: {  	_ =	shalt  }
0x44: {  	_ =	shalt  }
0x45: {  	_ =	shalt  }
0x46: {  	_ =	shalt  }
0x47: {  	_ =	shalt  }
0x48: {  	_ =	shalt  }
0x49: {  	_ =	shalt  }
0x4a: {  	_ =	shalt  }
0x4b: {  	_ =	shalt  }
0x4c: {  	_ =	shalt  }
0x4d: {  	_ =	shalt  }
0x4e: {  	_ =	shalt  }
0x4f: {  	_ =	shalt  }
0x50: {  	_ =	shalt  }
0x51: {  	_ =	shalt  }
0x52: {  	_ =	shalt  }
0x53: {  	_ =	shalt  }
0x54: {  	_ =	shalt  }
0x55: {  	_ =	shalt  }
0x56: {  	_ =	shalt  }
0x57: {  	_ =	shalt  }
0x58: {  	_ =	shalt  }
0x59: {  	_ =	shalt  }
0x5a: {  	_ =	shalt  }
0x5b: {  	_ =	shalt  }
0x5c: {  	_ =	shalt  }
0x5d: {  	_ =	shalt  }
0x5e: {  	_ =	shalt  }
0x5f: {  	_ =	shalt  }
0x60: {  	_ =	shalt  }
0x61: {  	_ =	shalt  }
0x62: {  	_ =	shalt  }
0x63: {  	_ =	shalt  }
0x64: {  	_ =	shalt  }
0x65: {  	_ =	shalt  }
0x66: {  	_ =	shalt  }
0x67: {  	_ =	shalt  }
0x68: {  	_ =	shalt  }
0x69: {  	_ =	shalt  }
0x6a: {  	_ =	shalt  }
0x6b: {  	_ =	shalt  }
0x6c: {  	_ =	shalt  }
0x6d: {  	_ =	shalt  }
0x6e: {  	_ =	shalt  }
0x6f: {  	_ =	shalt  }
0x70: {  	_ =	shalt  }
0x71: {  	_ =	shalt  }
0x72: {  	_ =	shalt  }
0x73: {  	_ =	shalt  }
0x74: {  	_ =	shalt  }
0x75: {  	_ =	shalt  }
0x76: {  	_ =	shalt  }
0x77: {  	_ =	shalt  }
0x78: {  	_ =	shalt  }
0x79: {  	_ =	shalt  }
0x7a: {  	_ =	shalt  }
0x7b: {  	_ =	shalt  }
0x7c: {  	_ =	shalt  }
0x7d: {  	_ =	shalt  }
0x7e: {  	_ =	shalt  }
0x7f: {  	_ =	shalt  }
0x80: {  	_ =	shalt  }
0x81: {  	_ =	shalt  }
0x82: {  	_ =	shalt  }
0x83: {  	_ =	shalt  }
0x84: {  	_ =	shalt  }
0x85: {  	_ =	shalt  }
0x86: {  	_ =	shalt  }
0x87: {  	_ =	shalt  }
.Lfunc_end0:
.L_simem_size_0:
called_computation_lowered:
.L_overlay_start_0:
0x88: {  	s2 =	sld [smem:$0x3FD9]  }
0x89: {  	s3 =	sld [smem:$0x3FFE];
	_ =	sdelay $0x1  }
0x8a: {  	s1 =	srdreg.scid  }
0x8b: {  	s0 =	sand.u32 $0x1, s1  }
0x8c: {  	s18 =	sshll.u32 s0, $0xA;
	s2 =	sadd.s32 s3, s2  }
0x8d: {  	s2 =	sadd.s32 s2, s18  }
0x8e: {  	[smem:$0x3FC6] =	sst s2  }
0x8f: {  	_ = 	snop  }
0x90: {  	s2 =	sld [smem:$0x3FC9]  }
0x91: {  	s19 =	sld [smem:$0x3FC8]  }
0x92: {  	s4 =	sld [smem:$0x3FD0];
	(tm) =	ssettm $0x1  }
0x93: {  	s5 =	sld [smem:$0x3FFB];
	_ =	sdelay $0x3  }
0x94: {  	_ =	strace s5  }
0x95: {  	s5 =	sld [smem:$0x3FFC];
	_ =	sdelay $0x3  }
0x96: {  	_ =	strace s5  }
0x97: {  	s5 =	sld [smem:$0x3FFD];
	_ =	sdelay $0x3  }
0x98: {  	_ =	strace s5  }
0x99: {  	_ =	strace $0x8FFFFFFF  }
0x9a: {  	s20 =	sld [smem:$0x3FDB];
	_ =	sdelay $0x1  }
0x9b: {  	s6 =	simm.s32 $_scs_section_size  }
0x9c: {  	s7 =	simm.s32 $_size__tile_overlayer_lowered;
	s8 =	simm.s32 $_tile_overlayer_lowered  }
0x9d: {  	s23 =	simm.s32 $0x1BFF;
	s22 =	sshll.u32 s8, $0x1;
	s5 =	sadd.s32 s6, s20  }
0x9e: {  	s9 =	simm.s32 $0x0;
	s21 =	sshll.u32 s7, $0x1;
	s7 =	sadd.s32 s22, s5  }
0x9f: {  	[timem:s9], [sflag:s23] =	dma.local [hbm:s7], s21  }
0xa0: {  	_ =	swait.ge [sflag:s23], s21  }
0xa1: {  	s6 =	ssub.s32 $0x0, s21;
	[sflag:s23] =	ssyncset.done $0x0  }
0xa2: {  	[sflag:s23] =	ssyncadd.s32 s6;
	_ =	sdelay $0x1  }
0xa3: {  	s24 =	simm.s32 $0x1B8B  }
0xa4: {  	_ =	swait.ge [sflag:s24], $0x1  }
0xa5: {  	[sflag:s24] =	ssyncset.done $0x0  }
0xa6: {  	s25 =	simm.s32 $0x1B8E;
	[sflag:s24] =	ssyncadd.s32 $0xFFFFFFFF  }
0xa7: {  	s26 =	simm.s32 $execute0_lowered;
	[smem:$0x3FD2] =	sst s25  }
0xa8: {  	s6 =	sshll.u32 s26, $0x1;
	_ =	strace $0x80000046;
	[dreg:$0x1] =	wrdreg $0xFFFFFFFF  }
0xa9: {  	s28 =	simm.s32 $_size_execute0_lowered;
	s5 =	sadd.s32 s5, s6;
	[dreg:$0x0] =	wrdreg $0x0  }
0xaa: {  	s6 =	sshll.u32 s28, $0x1;
	[dreg:$0x2] =	wrdreg s5  }
0xab: {  	[dreg:$0x3] =	wrdreg s6  }
0xac: {  	[dreg:$0x4] =	wrdreg $0xC0  }
0xad: {  	_ =	task [dreg:s9], $0x5FFFF  }
0xae: {  	[dreg:$0x1] =	wrdreg $0xFFFFFFFF  }
0xaf: {  	[dreg:$0x0] =	wrdreg $0x60  }
0xb0: {  	[dreg:$0x2] =	wrdreg s2  }
0xb1: {  	[dreg:$0x3] =	wrdreg s19  }
0xb2: {  	[dreg:$0x4] =	wrdreg s4  }
0xb3: {  	[dreg:$0x5] =	wrdreg $0x0  }
0xb4: {  	[dreg:$0x6] =	wrdreg $0x9  }
0xb5: {  	_ =	task.clear_ibuf [dreg:s9], $0x7FFFF;
	_ =	strace $0x90000046  }
0xb6: {  	s29 =	simm.s32 $0x9;
	_ =	strace $0x80000048  }
0xb7: {  	_ =	swait.ge [sflag:s29], $0x1  }
0xb8: {  	[sflag:s29] =	ssyncadd.s32 $0xFFFFFFFF  }
0xb9: {  	_ =	strace $0x90000048  }
0xba: {  	_ =	sfence  }
0xbb: {  	s30 =	sld [smem:$0x0];
	_ =	sdelay $0x2  }
0xbc: {  	s31 =	sshll.u32 s1, $0xD;
	s1 =	sshrl.u32 s1, $0x2  }
0xbd: {  	s3 =	sand.u32 $0x4000, s31;
	s1 =	sadd.s32 s1, s30  }
0xbe: {  	s0 =	sor.u32 s3, s0;
	s1 =	sshll.u32 s1, $0x11  }
0xbf: {  	s0 =	sor.u32 s1, s0  }
0xc0: {  	s0 =	sadd.s32 $0x8F2B, s0  }
0xc1: {  	[sflag:s0] =	ssyncadd.remote.s32 $0x1  }
0xc2: {  	_ =	sfence.sel $0xFFFF  }
0xc3: {  	[dreg:$0x0] =	wrdreg $0xFFFFFFFF;
	(pc) =	sbr.abs _section_cstart, $3  }
0xc4: {  	[dreg:$0x1] =	wrdreg $0xFFFFFFFF  }
0xc5: {  	_ =	task.clear_ibuf [dreg:s9], $0x2FFFF;
	_ =	strace $0x9FFFFFFF  }
0xc6: {  	(tm) =	ssettm $0x7FFFFFFF  }
0xc7: {  	_ =	shalt  }
tec
execute0_lowered:
.L_overlay_start_1:
0x0: {  	(tag) =	ssettag $0x1  }
0x1: {  	s5 =	rddreg [dreg:$0x0]  }
0x2: {  	s3 =	rddreg [dreg:$0x1]  }
0x3: {  	s7 =	rddreg [dreg:$0x2]  }
0x4: {  	s2 =	rddreg [dreg:$0x3]  }
0x5: {  	s30 =	rddreg [dreg:$0x4];
	s0 =	srdreg.scid  }
0x6: {  	s31 =	stileid.u32;
	s4 =	simm.s32 $0x0;
	s9 =	sand.u32 $0x1, s0  }
0x7: {  	s17 =	sshll.u32 s31, $0x1;
	[smem:$0x7FF] =	sst s4;
	s18 =	sshll.u32 s31, $0xB  }
0x8: {  	s12 =	sadd.s32 $0x400, s7;
	s8 =	sor.u32 s9, s17;
	s10 =	sand.u32 $0x1800, s18  }
0x9: {  	_ =	strace $0x80000047;
	s10 =	sadd.s32 s5, s10;
	s5 =	sshll.u32 s31, $0x6  }
0xa: {  	s11 =	sshll.u32 s8, $0x10;
	[dreg:$0x5] =	wrdreg s10;
	s19 =	sor.u32 $0x1C04, s5  }
0xb: {  	s13 =	sadd.s32 $0x1400, s7;
	s20 =	sadd.s32 s7, s11;
	[dreg:$0x6] =	wrdreg s19  }
0xc: {  	s14 =	sadd.s32 $0x2400, s7;
	s21 =	sadd.s32 s11, s12;
	[dreg:$0x7] =	wrdreg s20  }
0xd: {  	s15 =	sadd.s32 $0x3400, s7;
	s22 =	sadd.s32 s11, s13;
	[dreg:$0x8] =	wrdreg s21  }
0xe: {  	s6 =	sshll.u32 s8, $0x2;
	s23 =	sadd.s32 s11, s14;
	[dreg:$0x9] =	wrdreg s22  }
0xf: {  	s0 =	sor.u32 $0x1, s6;
	s7 =	sadd.s32 s11, s15;
	[dreg:$0xa] =	wrdreg s23  }
0x10: {  	s11 =	simm.s32 $0x5800;
	s24 =	sshll.u32 s0, $0xE;
	[dreg:$0xb] =	wrdreg s7  }
0x11: {  	[dreg:$0x1a] =	wrdreg s11;
	s25 =	sadd.s32 s24, s12  }
0x12: {  	s26 =	sadd.s32 s24, s13;
	[dreg:$0xc] =	wrdreg s25  }
0x13: {  	s8 =	sshllo.u32 s8, $0x2;
	s1 =	sadd.s32 s24, s14;
	[dreg:$0xd] =	wrdreg s26  }
0x14: {  	s21 =	sshll.u32 s8, $0xE;
	s10 =	sadd.s32 s24, s15;
	[dreg:$0xe] =	wrdreg s1  }
0x15: {  	s22 =	sadd.s32 s21, s12;
	[dreg:$0xf] =	wrdreg s10  }
0x16: {  	s7 =	sor.u32 $0x2, s6;
	s23 =	sadd.s32 s21, s13;
	[dreg:$0x14] =	wrdreg s22  }
0x17: {  	s16 =	sshll.u32 s7, $0xE;
	s24 =	sadd.s32 s21, s14;
	[dreg:$0x15] =	wrdreg s23  }
0x18: {  	s17 =	sadd.s32 s16, s12;
	[dreg:$0x16] =	wrdreg s24  }
0x19: {  	s18 =	sadd.s32 s16, s13;
	[dreg:$0x10] =	wrdreg s17  }
0x1a: {  	s19 =	sadd.s32 s16, s14;
	[dreg:$0x11] =	wrdreg s18  }
0x1b: {  	s20 =	sadd.s32 s16, s15;
	[dreg:$0x12] =	wrdreg s19  }
0x1c: {  	s25 =	sadd.s32 s21, s15;
	[dreg:$0x13] =	wrdreg s20  }
0x1d: {  	s26 =	simm.s32 $0x4800;
	[dreg:$0x17] =	wrdreg s25  }
0x1e: {  	s28 =	simm.s32 $0x400;
	s1 =	simm.s32 $0x5000;
	[dreg:$0x18] =	wrdreg s26  }
0x1f: {  	p0 =	por $0x0, $0x0;
	s12 =	simm.s32 $0x6000;
	[dreg:$0x19] =	wrdreg s1  }
0x20: {  	s9 =	ssub.s32 $0x2, s9;
	s13 =	simm.s32 $0x6800;
	[dreg:$0x1b] =	wrdreg s12  }
0x21: {  	s11 =	sadd.s32 $0x100, s3;
	s14 =	simm.s32 $0x7000;
	[dreg:$0x1c] =	wrdreg s13  }
0x22: {  	v0 =	vmov s6;
	s6 =	simm.s32 $0x4000;
	s15 =	simm.s32 $0x7800;
	[dreg:$0x1d] =	wrdreg s14  }
0x23: {  	v9 =	vmov s8;
	s8 =	simm.s32 $0x3;
	s16 =	simm.s32 $0x8800;
	[dreg:$0x1e] =	wrdreg s15  }
0x24: {  	v6 =	vmov s7;
	s7 =	simm.s32 $0x2;
	s21 =	simm.s32 $0xA800;
	[dreg:$0x1f] =	wrdreg s16  }
0x25: {  	s22 =	simm.s32 $0xB000;
	s23 =	simm.s32 $0xB800;
	[smem:$0x7F4] =	sst s21  }
0x26: {  	s24 =	simm.s32 $0xC800;
	s10 =	simm.s32 $0xC000;
	[smem:$0x7F5] =	sst s22  }
0x27: {  	s17 =	simm.s32 $0x9000;
	s18 =	simm.s32 $0x9800;
	[smem:$0x7F6] =	sst s23  }
0x28: {  	v2 =	vlaneseq.u32;
	s19 =	sshrl.u32 s9, $0x1;
	s20 =	simm.s32 $0xA000;
	[smem:$0x7F7] =	sst s24  }
0x29: {  	vm0 =	vmmov $0xffff;
	v4 =	vshrl.u32 v2, $0x3;
	s12 =	sadd.s32 $0x200, s3;
	s14 =	sadd.s32 $0x300, s3;
	[smem:$0x7F1] =	sst s17  }
0x2a: {  	v3 =	vand.u32 $0x7, v2;
	v2 =	vor.u32 $0x8, v2;
	v8 =	vmul.u32 $0x8, v4;
	s25 =	sshll.u32 s31, $0xE;
	s26 =	simm.s32 $0xD000;
	[smem:$0x7F2] =	sst s18  }
0x2b: {  	v1 =	vshll.u32 v0, $0x3;
	v0 =	vand.u32 $0x4, v0;
	v5 =	vmov s0;
	s15 =	simm.s32 $0xD800;
	s23 =	simm.s32 $0xE000;
	[smem:$0x7F3] =	sst s20  }
0x2c: {  	v10 =	vshll.u32 v9, $0x3;
	v1 =	vand.u32 $0x7FFFFFC0, v1;
	v4 =	vshll.u32 v5, $0x3;
	s24 =	simm.s32 $0xE800;
	s13 =	simm.s32 $0x8000;
	[smem:$0x7F8] =	sst s26  }
0x2d: {  	v5 =	vand.u32 $0x5, v5;
	v62 =	vand.u32 $0x7FFFFFC0, v10;
	v0 =	vor.u32 v0, v1;
	s21 =	simm.s32 $0x12000;
	s22 =	simm.s32 $0x13800;
	[smem:$0x7F9] =	sst s15  }
0x2e: {  	v4 =	vand.u32 $0x7FFFFFC0, v4;
	v7 =	vshll.u32 v6, $0x3;
	v6 =	vand.u32 $0x6, v6;
	s9 =	ssub.s32 s9, s19;
	s1 =	sadd.s32 s25, s2;
	[smem:$0x7FA] =	sst s23  }
0x2f: {  	v1 =	vperm.xlane v0, v3;
	v0 =	vperm.xlane v0, v2;
	v4 =	vor.u32 v5, v4;
	[smem:$0x7FB] =	sst s24;
	s25 =	simm.s32 $0xF000;
	s16 =	smax.u32 s9, $0x1  }
0x30: {  	v7 =	vand.u32 $0x7FFFFFC0, v7;
	v5 =	vperm.xlane v4, v3;
	s26 =	simm.s32 $0xF800;
	v4 =	vperm.xlane v4, v2;
	s17 =	simm.s32 $0x10800;
	p1 =	sne.s32 s16, $0x1  }
.Ltmp0:
0x31: {  	s19 =	simm.s32 $0x11000;
	s20 =	simm.s32 $0x11800;
	v6 =	vor.u32 v6, v7;
	v7 =	vand.u32 $0x7, v9;
	v1 =	vadd.s32 v8, v1;
	(pc) =	sbr.rel @!p1 .LBB2_5-.Ltmp0, $4  }
0x32: {  	s23 =	simm.s32 $0x4;
	s18 =	simm.s32 $0x40;
	[smem:$0x7FC] =	sst s25;
	v63 =	vperm.xlane v6, v3;
	v11 =	vperm.xlane v6, v2;
	v6 =	vor.u32 v7, v62  }
0x33: {  	s24 =	simm.s32 $0x800;
	s15 =	simm.s32 $0x2000;
	v0 =	vadd.s32 v8, v0;
	[smem:$0x7FD] =	sst s26;
	v9 =	vperm.xlane v6, v3;
	v2 =	vperm.xlane v6, v2  }
0x34: {  	s9 =	simm.s32 $0x10000;
	s25 =	simm.s32 $0x12800;
	s26 =	simm.s32 $0x13000;
	v7 =	vadd.s32 v8, v5;
	v6 =	vadd.s32 v8, v4;
	v5 =	vadd.s32 v8, v63  }
0x35: {  	s29 =	sshrl.u32 s1, $0x3;
	s0 =	sadd.s32 $0xFFFFFFFF, s16;
	s16 =	simm.s32 $0x1;
	v3 =	vadd.s32 v8, v11;
	v4 =	vadd.s32 v8, v9;
	v2 =	vadd.s32 v8, v2  }
0x36: {  	_ =	sdelay $0x3  }
0x37: {  	[tilespmem:s6], [sflag:$0x1] =	stream.indirect_vreg.gather [hbm4b:s3+s4], $0x80, v1, vm0, $0xb8;
	[tilespmem:$0x14000] =	vst v63  }
0x38: {  	s30 =	rddreg [dreg:$0x18]  }
0x39: {  	[tilespmem:s30], [sflag:$0x1] =	stream.indirect_vreg.gather [hbm4b:s11+s4], $0x80, v1, vm0, $0xb8;
	[tilespmem:$0x14000] =	vst v63  }
0x3a: {  	s31 =	rddreg [dreg:$0x19]  }
0x3b: {  	[tilespmem:s31], [sflag:$0x1] =	stream.indirect_vreg.gather [hbm4b:s12+s4], $0x80, v1, vm0, $0xb8;
	[tilespmem:$0x14000] =	vst v63  }
0x3c: {  	s30 =	rddreg [dreg:$0x1a]  }
0x3d: {  	[tilespmem:s30], [sflag:$0x1] =	stream.indirect_vreg.gather [hbm4b:s14+s4], $0x80, v1, vm0, $0xb8;
	[tilespmem:$0x14000] =	vst v63  }
0x3e: {  	s31 =	rddreg [dreg:$0x1b]  }
0x3f: {  	[tilespmem:s31], [sflag:$0x1] =	stream.indirect_vreg.gather [hbm4b:s3+s4], $0x80, v0, vm0, $0xb8;
	[tilespmem:$0x14000] =	vst v63  }
0x40: {  	s30 =	rddreg [dreg:$0x1c]  }
0x41: {  	[tilespmem:s30], [sflag:$0x1] =	stream.indirect_vreg.gather [hbm4b:s11+s4], $0x80, v0, vm0, $0xb8;
	[tilespmem:$0x14000] =	vst v63  }
0x42: {  	s31 =	rddreg [dreg:$0x1d]  }
0x43: {  	[tilespmem:s31], [sflag:$0x1] =	stream.indirect_vreg.gather [hbm4b:s12+s4], $0x80, v0, vm0, $0xb8;
	[tilespmem:$0x14000] =	vst v63  }
0x44: {  	s30 =	rddreg [dreg:$0x1e]  }
0x45: {  	[tilespmem:s30], [sflag:$0x1] =	stream.indirect_vreg.gather [hbm4b:s14+s4], $0x80, v0, vm0, $0xb8;
	[tilespmem:$0x14000] =	vst v63  }
0x46: {  	s31 =	sld [smem:$0x7F1]  }
0x47: {  	[tilespmem:s13], [sflag:$0x1] =	stream.indirect_vreg.gather [hbm4b:s3+s4], $0x80, v7, vm0, $0xb8;
	[tilespmem:$0x14000] =	vst v63  }
0x48: {  	s30 =	rddreg [dreg:$0x1f]  }
0x49: {  	[tilespmem:s30], [sflag:$0x1] =	stream.indirect_vreg.gather [hbm4b:s11+s4], $0x80, v7, vm0, $0xb8;
	[tilespmem:$0x14000] =	vst v63  }
0x4a: {  	s30 =	sld [smem:$0x7F2]  }
0x4b: {  	[tilespmem:s31], [sflag:$0x1] =	stream.indirect_vreg.gather [hbm4b:s12+s4], $0x80, v7, vm0, $0xb8;
	[tilespmem:$0x14000] =	vst v63  }
0x4c: {  	s31 =	sld [smem:$0x7F3]  }
0x4d: {  	[tilespmem:s30], [sflag:$0x1] =	stream.indirect_vreg.gather [hbm4b:s14+s4], $0x80, v7, vm0, $0xb8;
	[tilespmem:$0x14000] =	vst v63  }
0x4e: {  	s30 =	sld [smem:$0x7F4]  }
0x4f: {  	[tilespmem:s31], [sflag:$0x1] =	stream.indirect_vreg.gather [hbm4b:s3+s4], $0x80, v6, vm0, $0xb8;
	[tilespmem:$0x14000] =	vst v63  }
0x50: {  	s31 =	sld [smem:$0x7F5]  }
0x51: {  	[tilespmem:s30], [sflag:$0x1] =	stream.indirect_vreg.gather [hbm4b:s11+s4], $0x80, v6, vm0, $0xb8;
	[tilespmem:$0x14000] =	vst v63  }
0x52: {  	s30 =	sld [smem:$0x7F6]  }
0x53: {  	[tilespmem:s31], [sflag:$0x1] =	stream.indirect_vreg.gather [hbm4b:s12+s4], $0x80, v6, vm0, $0xb8;
	[tilespmem:$0x14000] =	vst v63  }
0x54: {  	_ = 	snop  }
0x55: {  	[tilespmem:s30], [sflag:$0x1] =	stream.indirect_vreg.gather [hbm4b:s14+s4], $0x80, v6, vm0, $0xb8;
	[tilespmem:$0x14000] =	vst v63  }
0x56: {  	s30 =	sld [smem:$0x7F7]  }
0x57: {  	[tilespmem:s10], [sflag:$0x1] =	stream.indirect_vreg.gather [hbm4b:s3+s4], $0x80, v5, vm0, $0xb8;
	[tilespmem:$0x14000] =	vst v63  }
0x58: {  	s31 =	sld [smem:$0x7F8]  }
0x59: {  	[tilespmem:s30], [sflag:$0x1] =	stream.indirect_vreg.gather [hbm4b:s11+s4], $0x80, v5, vm0, $0xb8;
	[tilespmem:$0x14000] =	vst v63  }
0x5a: {  	s30 =	sld [smem:$0x7F9]  }
0x5b: {  	[tilespmem:s31], [sflag:$0x1] =	stream.indirect_vreg.gather [hbm4b:s12+s4], $0x80, v5, vm0, $0xb8;
	[tilespmem:$0x14000] =	vst v63  }
0x5c: {  	s31 =	sld [smem:$0x7FA]  }
0x5d: {  	[tilespmem:s30], [sflag:$0x1] =	stream.indirect_vreg.gather [hbm4b:s14+s4], $0x80, v5, vm0, $0xb8;
	[tilespmem:$0x14000] =	vst v63  }
0x5e: {  	s30 =	sld [smem:$0x7FB]  }
0x5f: {  	[tilespmem:s31], [sflag:$0x1] =	stream.indirect_vreg.gather [hbm4b:s3+s4], $0x80, v3, vm0, $0xb8;
	[tilespmem:$0x14000] =	vst v63  }
0x60: {  	s31 =	sld [smem:$0x7FC]  }
0x61: {  	[tilespmem:s30], [sflag:$0x1] =	stream.indirect_vreg.gather [hbm4b:s11+s4], $0x80, v3, vm0, $0xb8;
	[tilespmem:$0x14000] =	vst v63  }
0x62: {  	s30 =	sld [smem:$0x7FD]  }
0x63: {  	[tilespmem:s31], [sflag:$0x1] =	stream.indirect_vreg.gather [hbm4b:s12+s4], $0x80, v3, vm0, $0xb8;
	[tilespmem:$0x14000] =	vst v63  }
0x64: {  	_ = 	snop  }
0x65: {  	[tilespmem:s30], [sflag:$0x1] =	stream.indirect_vreg.gather [hbm4b:s14+s4], $0x80, v3, vm0, $0xb8;
	[tilespmem:$0x14000] =	vst v63  }
0x66: {  	_ = 	snop  }
0x67: {  	[tilespmem:s9], [sflag:$0x1] =	stream.indirect_vreg.gather [hbm4b:s3+s4], $0x80, v4, vm0, $0xb8;
	[tilespmem:$0x14000] =	vst v63  }
0x68: {  	_ = 	snop  }
0x69: {  	[tilespmem:s17], [sflag:$0x1] =	stream.indirect_vreg.gather [hbm4b:s11+s4], $0x80, v4, vm0, $0xb8;
	[tilespmem:$0x14000] =	vst v63  }
0x6a: {  	_ = 	snop  }
0x6b: {  	[tilespmem:s19], [sflag:$0x1] =	stream.indirect_vreg.gather [hbm4b:s12+s4], $0x80, v4, vm0, $0xb8;
	[tilespmem:$0x14000] =	vst v63  }
0x6c: {  	_ = 	snop  }
0x6d: {  	[tilespmem:s20], [sflag:$0x1] =	stream.indirect_vreg.gather [hbm4b:s14+s4], $0x80, v4, vm0, $0xb8;
	[tilespmem:$0x14000] =	vst v63  }
0x6e: {  	_ = 	snop  }
0x6f: {  	[tilespmem:s21], [sflag:$0x1] =	stream.indirect_vreg.gather [hbm4b:s3+s4], $0x80, v2, vm0, $0xb8;
	[tilespmem:$0x14000] =	vst v63  }
0x70: {  	_ = 	snop  }
0x71: {  	[tilespmem:s25], [sflag:$0x1] =	stream.indirect_vreg.gather [hbm4b:s11+s4], $0x80, v2, vm0, $0xb8;
	[tilespmem:$0x14000] =	vst v63  }
0x72: {  	s31 =	rddreg [dreg:$0x5]  }
0x73: {  	[tilespmem:s26], [sflag:$0x1] =	stream.indirect_vreg.gather [hbm4b:s12+s4], $0x80, v2, vm0, $0xb8;
	[tilespmem:$0x14000] =	vst v63  }
0x74: {  	s30 =	rddreg [dreg:$0x6]  }
0x75: {  	[tilespmem:s22], [sflag:$0x1] =	stream.indirect_vreg.gather [hbm4b:s14+s4], $0x80, v2, vm0, $0xb8;
	[tilespmem:$0x14000] =	vst v63  }
0x76: {  	[spmem:s29], [sflag:s30] =	dma.local [hbm:s31], $0x800  }
0x77: {  	_ =	swait.ge [sflag:s23], $0x800  }
0x78: {  	[sflag:s23] =	ssyncset.done $0x0  }
0x79: {  	[sflag:s23] =	ssyncadd.s32 $0xFFFFF800  }
0x7a: {  	s1 =	smov.u32 s2;
	[bflag:$0x0] =	sbarrier.arrive $0xFFFF  }
0x7b: {  	s30 =	sor.u32 $0x1C02, s5;
	s31 =	sshrl.u32 s1, $0x3;
	s2 =	rddreg [dreg:$0x7]  }
0x7c: {  	[hbm:s2@s24], [sflag:s30] =	dma.strided [spmem:s31@s28], $0x8000, s18, $0x10   }
0x7d: {  	_ =	swait.ge [sflag:s16], $0x4000  }
0x7e: {  	[sflag:s16] =	ssyncset.done $0x0  }
0x7f: {  	s2 =	rddreg [dreg:$0x8];
	[sflag:s16] =	ssyncadd.s32 $0xFFFFC000  }
0x80: {  	[hbm4b:s2+s15] =	stream.strided.scatter [tilespmem:s6], [sflag:$0x3], $0x4000, s6, s15, $0x38;
	[tilespmem:$0x14000] =	vst v63  }
0x81: {  	s1 =	rddreg [dreg:$0x9]  }
0x82: {  	[hbm4b:s1+s15] =	stream.strided.scatter [tilespmem:s6], [sflag:$0x3], $0x4000, s6, s15, $0x38;
	[tilespmem:$0x14000] =	vst v63  }
0x83: {  	s2 =	rddreg [dreg:$0xa]  }
0x84: {  	[hbm4b:s2+s15] =	stream.strided.scatter [tilespmem:s6], [sflag:$0x3], $0x4000, s6, s15, $0x38;
	[tilespmem:$0x14000] =	vst v63  }
0x85: {  	s1 =	rddreg [dreg:$0xb]  }
0x86: {  	[hbm4b:s1+s15] =	stream.strided.scatter [tilespmem:s6], [sflag:$0x3], $0x4000, s6, s15, $0x38;
	[tilespmem:$0x14000] =	vst v63  }
0x87: {  	_ =	swait.ge [sflag:s16], $0x4000  }
0x88: {  	[sflag:s16] =	ssyncset.done $0x0  }
0x89: {  	s1 =	rddreg [dreg:$0xc];
	[sflag:s16] =	ssyncadd.s32 $0xFFFFC000  }
0x8a: {  	[hbm4b:s1+s15] =	stream.strided.scatter [tilespmem:s13], [sflag:$0x3], $0x4000, s6, s15, $0x38;
	[tilespmem:$0x14000] =	vst v63  }
0x8b: {  	s2 =	rddreg [dreg:$0xd]  }
0x8c: {  	[hbm4b:s2+s15] =	stream.strided.scatter [tilespmem:s13], [sflag:$0x3], $0x4000, s6, s15, $0x38;
	[tilespmem:$0x14000] =	vst v63  }
0x8d: {  	s1 =	rddreg [dreg:$0xe]  }
0x8e: {  	[hbm4b:s1+s15] =	stream.strided.scatter [tilespmem:s13], [sflag:$0x3], $0x4000, s6, s15, $0x38;
	[tilespmem:$0x14000] =	vst v63  }
0x8f: {  	s2 =	rddreg [dreg:$0xf]  }
0x90: {  	[hbm4b:s2+s15] =	stream.strided.scatter [tilespmem:s13], [sflag:$0x3], $0x4000, s6, s15, $0x38;
	[tilespmem:$0x14000] =	vst v63  }
0x91: {  	_ =	swait.ge [sflag:s16], $0x4000  }
0x92: {  	[sflag:s16] =	ssyncset.done $0x0  }
0x93: {  	s1 =	rddreg [dreg:$0x10];
	[sflag:s16] =	ssyncadd.s32 $0xFFFFC000  }
0x94: {  	[hbm4b:s1+s15] =	stream.strided.scatter [tilespmem:s10], [sflag:$0x3], $0x4000, s6, s15, $0x38;
	[tilespmem:$0x14000] =	vst v63  }
0x95: {  	s2 =	rddreg [dreg:$0x11]  }
0x96: {  	[hbm4b:s2+s15] =	stream.strided.scatter [tilespmem:s10], [sflag:$0x3], $0x4000, s6, s15, $0x38;
	[tilespmem:$0x14000] =	vst v63  }
0x97: {  	s1 =	rddreg [dreg:$0x12]  }
0x98: {  	[hbm4b:s1+s15] =	stream.strided.scatter [tilespmem:s10], [sflag:$0x3], $0x4000, s6, s15, $0x38;
	[tilespmem:$0x14000] =	vst v63  }
0x99: {  	s2 =	rddreg [dreg:$0x13]  }
0x9a: {  	[hbm4b:s2+s15] =	stream.strided.scatter [tilespmem:s10], [sflag:$0x3], $0x4000, s6, s15, $0x38;
	[tilespmem:$0x14000] =	vst v63  }
0x9b: {  	_ =	swait.ge [sflag:s16], $0x4000  }
0x9c: {  	[sflag:s16] =	ssyncset.done $0x0  }
0x9d: {  	s1 =	rddreg [dreg:$0x14];
	[sflag:s16] =	ssyncadd.s32 $0xFFFFC000  }
0x9e: {  	[hbm4b:s1+s15] =	stream.strided.scatter [tilespmem:s9], [sflag:$0x3], $0x4000, s6, s15, $0x38;
	[tilespmem:$0x14000] =	vst v63  }
0x9f: {  	s2 =	rddreg [dreg:$0x15]  }
0xa0: {  	[hbm4b:s2+s15] =	stream.strided.scatter [tilespmem:s9], [sflag:$0x3], $0x4000, s6, s15, $0x38;
	[tilespmem:$0x14000] =	vst v63  }
0xa1: {  	s1 =	rddreg [dreg:$0x16]  }
0xa2: {  	[hbm4b:s1+s15] =	stream.strided.scatter [tilespmem:s9], [sflag:$0x3], $0x4000, s6, s15, $0x38;
	[tilespmem:$0x14000] =	vst v63  }
0xa3: {  	s2 =	rddreg [dreg:$0x17]  }
0xa4: {  	[hbm4b:s2+s15] =	stream.strided.scatter [tilespmem:s9], [sflag:$0x3], $0x4000, s6, s15, $0x38;
	[tilespmem:$0x14000] =	vst v63  }
0xa5: {  	_ =	swait.ge [sflag:s8], $0x4000  }
0xa6: {  	[sflag:s8] =	ssyncset.done $0x0  }
0xa7: {  	[sflag:s8] =	ssyncadd.s32 $0xFFFFC000  }
0xa8: {  	_ =	swait.ge [sflag:s8], $0x4000  }
0xa9: {  	[sflag:s8] =	ssyncset.done $0x0  }
0xaa: {  	[sflag:s8] =	ssyncadd.s32 $0xFFFFC000  }
0xab: {  	_ =	swait.ge [sflag:s8], $0x4000  }
0xac: {  	[sflag:s8] =	ssyncset.done $0x0  }
0xad: {  	[sflag:s8] =	ssyncadd.s32 $0xFFFFC000  }
0xae: {  	_ =	swait.ge [sflag:s8], $0x4000  }
0xaf: {  	[sflag:s8] =	ssyncset.done $0x0  }
0xb0: {  	[sflag:s8] =	ssyncadd.s32 $0xFFFFC000  }
0xb1: {  	_ =	swait.ge [sflag:s8], $0x4000  }
0xb2: {  	[sflag:s8] =	ssyncset.done $0x0  }
0xb3: {  	[sflag:s8] =	ssyncadd.s32 $0xFFFFC000  }
0xb4: {  	_ =	swait.ge [sflag:s8], $0x4000  }
0xb5: {  	[sflag:s8] =	ssyncset.done $0x0  }
0xb6: {  	[sflag:s8] =	ssyncadd.s32 $0xFFFFC000  }
0xb7: {  	_ =	swait.ge [sflag:s8], $0x4000  }
0xb8: {  	[sflag:s8] =	ssyncset.done $0x0  }
0xb9: {  	[sflag:s8] =	ssyncadd.s32 $0xFFFFC000  }
0xba: {  	_ =	swait.ge [sflag:s8], $0x4000  }
0xbb: {  	[sflag:s8] =	ssyncset.done $0x0  }
0xbc: {  	[sflag:s8] =	ssyncadd.s32 $0xFFFFC000  }
0xbd: {  	_ =	swait.ge [sflag:s8], $0x4000  }
0xbe: {  	[sflag:s8] =	ssyncset.done $0x0  }
0xbf: {  	[sflag:s8] =	ssyncadd.s32 $0xFFFFC000  }
0xc0: {  	_ =	swait.ge [sflag:s8], $0x4000  }
0xc1: {  	[sflag:s8] =	ssyncset.done $0x0  }
0xc2: {  	[sflag:s8] =	ssyncadd.s32 $0xFFFFC000  }
0xc3: {  	_ =	swait.ge [sflag:s8], $0x4000  }
0xc4: {  	[sflag:s8] =	ssyncset.done $0x0  }
0xc5: {  	[sflag:s8] =	ssyncadd.s32 $0xFFFFC000  }
0xc6: {  	_ =	swait.ge [sflag:s8], $0x4000  }
0xc7: {  	[sflag:s8] =	ssyncset.done $0x0  }
0xc8: {  	[sflag:s8] =	ssyncadd.s32 $0xFFFFC000  }
0xc9: {  	_ =	swait.ge [sflag:s8], $0x4000  }
0xca: {  	[sflag:s8] =	ssyncset.done $0x0  }
0xcb: {  	[sflag:s8] =	ssyncadd.s32 $0xFFFFC000  }
0xcc: {  	_ =	swait.ge [sflag:s8], $0x4000  }
0xcd: {  	[sflag:s8] =	ssyncset.done $0x0  }
0xce: {  	[sflag:s8] =	ssyncadd.s32 $0xFFFFC000  }
0xcf: {  	_ =	swait.ge [sflag:s8], $0x4000  }
0xd0: {  	[sflag:s8] =	ssyncset.done $0x0  }
0xd1: {  	p1 =	sne.s32 s0, $0x1;
	[sflag:s8] =	ssyncadd.s32 $0xFFFFC000  }
.Ltmp1:
0xd2: {  	_ =	swait.ge [sflag:s8], $0x4000;
	(pc) =	sbr.rel @!p1 .LBB2_2-.Ltmp1, $4  }
0xd3: {  	[sflag:s8] =	ssyncset.done $0x0  }
0xd4: {  	[sflag:s8] =	ssyncadd.s32 $0xFFFFC000  }
0xd5: {  	_ =	swait.ge [sflag:s7], $0x8000  }
0xd6: {  	s0 =	sadd.s32 $0xFFFFFFFF, s0;
	p0 =	por $0x1, $0x1;
	[sflag:s7] =	ssyncset.done $0x0  }
.LBB2_3:
0xd7: {  	[sflag:s7] =	ssyncadd.s32 $0xFFFF8000  }
0xd8: {  	[tilespmem:s6], [sflag:$0x1] =	stream.indirect_vreg.gather [hbm4b:s3+s4], $0x80, v1, vm0, $0xb8;
	[tilespmem:$0x14000] =	vst v63  }
0xd9: {  	s1 =	rddreg [dreg:$0x18]  }
0xda: {  	[tilespmem:s1], [sflag:$0x1] =	stream.indirect_vreg.gather [hbm4b:s11+s4], $0x80, v1, vm0, $0xb8;
	[tilespmem:$0x14000] =	vst v63  }
0xdb: {  	s2 =	rddreg [dreg:$0x19]  }
0xdc: {  	[tilespmem:s2], [sflag:$0x1] =	stream.indirect_vreg.gather [hbm4b:s12+s4], $0x80, v1, vm0, $0xb8;
	[tilespmem:$0x14000] =	vst v63  }
0xdd: {  	s1 =	rddreg [dreg:$0x1a]  }
0xde: {  	[tilespmem:s1], [sflag:$0x1] =	stream.indirect_vreg.gather [hbm4b:s14+s4], $0x80, v1, vm0, $0xb8;
	[tilespmem:$0x14000] =	vst v63  }
0xdf: {  	s2 =	rddreg [dreg:$0x1b]  }
0xe0: {  	[tilespmem:s2], [sflag:$0x1] =	stream.indirect_vreg.gather [hbm4b:s3+s4], $0x80, v0, vm0, $0xb8;
	[tilespmem:$0x14000] =	vst v63  }
0xe1: {  	s1 =	rddreg [dreg:$0x1c]  }
0xe2: {  	[tilespmem:s1], [sflag:$0x1] =	stream.indirect_vreg.gather [hbm4b:s11+s4], $0x80, v0, vm0, $0xb8;
	[tilespmem:$0x14000] =	vst v63  }
0xe3: {  	s2 =	rddreg [dreg:$0x1d]  }
0xe4: {  	[tilespmem:s2], [sflag:$0x1] =	stream.indirect_vreg.gather [hbm4b:s12+s4], $0x80, v0, vm0, $0xb8;
	[tilespmem:$0x14000] =	vst v63  }
0xe5: {  	s1 =	rddreg [dreg:$0x1e]  }
0xe6: {  	[tilespmem:s1], [sflag:$0x1] =	stream.indirect_vreg.gather [hbm4b:s14+s4], $0x80, v0, vm0, $0xb8;
	[tilespmem:$0x14000] =	vst v63  }
0xe7: {  	s2 =	sld [smem:$0x7F1]  }
0xe8: {  	[tilespmem:s13], [sflag:$0x1] =	stream.indirect_vreg.gather [hbm4b:s3+s4], $0x80, v7, vm0, $0xb8;
	[tilespmem:$0x14000] =	vst v63  }
0xe9: {  	s1 =	rddreg [dreg:$0x1f]  }
0xea: {  	[tilespmem:s1], [sflag:$0x1] =	stream.indirect_vreg.gather [hbm4b:s11+s4], $0x80, v7, vm0, $0xb8;
	[tilespmem:$0x14000] =	vst v63  }
0xeb: {  	s1 =	sld [smem:$0x7F2]  }
0xec: {  	[tilespmem:s2], [sflag:$0x1] =	stream.indirect_vreg.gather [hbm4b:s12+s4], $0x80, v7, vm0, $0xb8;
	[tilespmem:$0x14000] =	vst v63  }
0xed: {  	s2 =	sld [smem:$0x7F3]  }
0xee: {  	[tilespmem:s1], [sflag:$0x1] =	stream.indirect_vreg.gather [hbm4b:s14+s4], $0x80, v7, vm0, $0xb8;
	[tilespmem:$0x14000] =	vst v63  }
0xef: {  	s1 =	sld [smem:$0x7F4]  }
0xf0: {  	[tilespmem:s2], [sflag:$0x1] =	stream.indirect_vreg.gather [hbm4b:s3+s4], $0x80, v6, vm0, $0xb8;
	[tilespmem:$0x14000] =	vst v63  }
0xf1: {  	s2 =	sld [smem:$0x7F5]  }
0xf2: {  	[tilespmem:s1], [sflag:$0x1] =	stream.indirect_vreg.gather [hbm4b:s11+s4], $0x80, v6, vm0, $0xb8;
	[tilespmem:$0x14000] =	vst v63  }
0xf3: {  	s1 =	sld [smem:$0x7F6]  }
0xf4: {  	[tilespmem:s2], [sflag:$0x1] =	stream.indirect_vreg.gather [hbm4b:s12+s4], $0x80, v6, vm0, $0xb8;
	[tilespmem:$0x14000] =	vst v63  }
0xf5: {  	_ = 	snop  }
0xf6: {  	[tilespmem:s1], [sflag:$0x1] =	stream.indirect_vreg.gather [hbm4b:s14+s4], $0x80, v6, vm0, $0xb8;
	[tilespmem:$0x14000] =	vst v63  }
0xf7: {  	s1 =	sld [smem:$0x7F7]  }
0xf8: {  	[tilespmem:s10], [sflag:$0x1] =	stream.indirect_vreg.gather [hbm4b:s3+s4], $0x80, v5, vm0, $0xb8;
	[tilespmem:$0x14000] =	vst v63  }
0xf9: {  	s2 =	sld [smem:$0x7F8]  }
0xfa: {  	[tilespmem:s1], [sflag:$0x1] =	stream.indirect_vreg.gather [hbm4b:s11+s4], $0x80, v5, vm0, $0xb8;
	[tilespmem:$0x14000] =	vst v63  }
0xfb: {  	s1 =	sld [smem:$0x7F9]  }
0xfc: {  	[tilespmem:s2], [sflag:$0x1] =	stream.indirect_vreg.gather [hbm4b:s12+s4], $0x80, v5, vm0, $0xb8;
	[tilespmem:$0x14000] =	vst v63  }
0xfd: {  	s2 =	sld [smem:$0x7FA]  }
0xfe: {  	[tilespmem:s1], [sflag:$0x1] =	stream.indirect_vreg.gather [hbm4b:s14+s4], $0x80, v5, vm0, $0xb8;
	[tilespmem:$0x14000] =	vst v63  }
0xff: {  	s1 =	sld [smem:$0x7FB]  }
0x100: {  	[tilespmem:s2], [sflag:$0x1] =	stream.indirect_vreg.gather [hbm4b:s3+s4], $0x80, v3, vm0, $0xb8;
	[tilespmem:$0x14000] =	vst v63  }
0x101: {  	s2 =	sld [smem:$0x7FC]  }
0x102: {  	[tilespmem:s1], [sflag:$0x1] =	stream.indirect_vreg.gather [hbm4b:s11+s4], $0x80, v3, vm0, $0xb8;
	[tilespmem:$0x14000] =	vst v63  }
0x103: {  	s1 =	sld [smem:$0x7FD]  }
0x104: {  	[tilespmem:s2], [sflag:$0x1] =	stream.indirect_vreg.gather [hbm4b:s12+s4], $0x80, v3, vm0, $0xb8;
	[tilespmem:$0x14000] =	vst v63  }
0x105: {  	_ = 	snop  }
0x106: {  	[tilespmem:s1], [sflag:$0x1] =	stream.indirect_vreg.gather [hbm4b:s14+s4], $0x80, v3, vm0, $0xb8;
	[tilespmem:$0x14000] =	vst v63  }
0x107: {  	_ = 	snop  }
0x108: {  	[tilespmem:s9], [sflag:$0x1] =	stream.indirect_vreg.gather [hbm4b:s3+s4], $0x80, v4, vm0, $0xb8;
	[tilespmem:$0x14000] =	vst v63  }
0x109: {  	_ = 	snop  }
0x10a: {  	[tilespmem:s17], [sflag:$0x1] =	stream.indirect_vreg.gather [hbm4b:s11+s4], $0x80, v4, vm0, $0xb8;
	[tilespmem:$0x14000] =	vst v63  }
0x10b: {  	_ = 	snop  }
0x10c: {  	[tilespmem:s19], [sflag:$0x1] =	stream.indirect_vreg.gather [hbm4b:s12+s4], $0x80, v4, vm0, $0xb8;
	[tilespmem:$0x14000] =	vst v63  }
0x10d: {  	_ = 	snop  }
0x10e: {  	[tilespmem:s20], [sflag:$0x1] =	stream.indirect_vreg.gather [hbm4b:s14+s4], $0x80, v4, vm0, $0xb8;
	[tilespmem:$0x14000] =	vst v63  }
0x10f: {  	_ = 	snop  }
0x110: {  	[tilespmem:s21], [sflag:$0x1] =	stream.indirect_vreg.gather [hbm4b:s3+s4], $0x80, v2, vm0, $0xb8;
	[tilespmem:$0x14000] =	vst v63  }
0x111: {  	_ = 	snop  }
0x112: {  	[tilespmem:s25], [sflag:$0x1] =	stream.indirect_vreg.gather [hbm4b:s11+s4], $0x80, v2, vm0, $0xb8;
	[tilespmem:$0x14000] =	vst v63  }
0x113: {  	s2 =	rddreg [dreg:$0x5]  }
0x114: {  	[tilespmem:s26], [sflag:$0x1] =	stream.indirect_vreg.gather [hbm4b:s12+s4], $0x80, v2, vm0, $0xb8;
	[tilespmem:$0x14000] =	vst v63  }
0x115: {  	s1 =	rddreg [dreg:$0x6]  }
0x116: {  	[tilespmem:s22], [sflag:$0x1] =	stream.indirect_vreg.gather [hbm4b:s14+s4], $0x80, v2, vm0, $0xb8;
	[tilespmem:$0x14000] =	vst v63  }
0x117: {  	[spmem:s29], [sflag:s1] =	dma.local [hbm:s2], $0x800  }
0x118: {  	_ =	swait.ge [sflag:s23], $0x800  }
0x119: {  	[sflag:s23] =	ssyncset.done $0x0  }
0x11a: {  	[sflag:s23] =	ssyncadd.s32 $0xFFFFF800  }
0x11b: {  	[bflag:$0x0] =	sbarrier.arrive $0xFFFF  }
0x11c: {  	s2 =	rddreg [dreg:$0x7]  }
0x11d: {  	[hbm:s2@s24], [sflag:s30] =	dma.strided [spmem:s31@s28], $0x8000, s18, $0x10   }
0x11e: {  	_ =	swait.ge [sflag:s16], $0x4000  }
0x11f: {  	[sflag:s16] =	ssyncset.done $0x0  }
0x120: {  	s1 =	rddreg [dreg:$0x8];
	[sflag:s16] =	ssyncadd.s32 $0xFFFFC000  }
0x121: {  	[hbm4b:s1+s15] =	stream.strided.scatter [tilespmem:s6], [sflag:$0x3], $0x4000, s6, s15, $0x38;
	[tilespmem:$0x14000] =	vst v63  }
0x122: {  	s2 =	rddreg [dreg:$0x9]  }
0x123: {  	[hbm4b:s2+s15] =	stream.strided.scatter [tilespmem:s6], [sflag:$0x3], $0x4000, s6, s15, $0x38;
	[tilespmem:$0x14000] =	vst v63  }
0x124: {  	s1 =	rddreg [dreg:$0xa]  }
0x125: {  	[hbm4b:s1+s15] =	stream.strided.scatter [tilespmem:s6], [sflag:$0x3], $0x4000, s6, s15, $0x38;
	[tilespmem:$0x14000] =	vst v63  }
0x126: {  	s2 =	rddreg [dreg:$0xb]  }
0x127: {  	[hbm4b:s2+s15] =	stream.strided.scatter [tilespmem:s6], [sflag:$0x3], $0x4000, s6, s15, $0x38;
	[tilespmem:$0x14000] =	vst v63  }
0x128: {  	_ =	swait.ge [sflag:s16], $0x4000  }
0x129: {  	[sflag:s16] =	ssyncset.done $0x0  }
0x12a: {  	s1 =	rddreg [dreg:$0xc];
	[sflag:s16] =	ssyncadd.s32 $0xFFFFC000  }
0x12b: {  	[hbm4b:s1+s15] =	stream.strided.scatter [tilespmem:s13], [sflag:$0x3], $0x4000, s6, s15, $0x38;
	[tilespmem:$0x14000] =	vst v63  }
0x12c: {  	s2 =	rddreg [dreg:$0xd]  }
0x12d: {  	[hbm4b:s2+s15] =	stream.strided.scatter [tilespmem:s13], [sflag:$0x3], $0x4000, s6, s15, $0x38;
	[tilespmem:$0x14000] =	vst v63  }
0x12e: {  	s1 =	rddreg [dreg:$0xe]  }
0x12f: {  	[hbm4b:s1+s15] =	stream.strided.scatter [tilespmem:s13], [sflag:$0x3], $0x4000, s6, s15, $0x38;
	[tilespmem:$0x14000] =	vst v63  }
0x130: {  	s2 =	rddreg [dreg:$0xf]  }
0x131: {  	[hbm4b:s2+s15] =	stream.strided.scatter [tilespmem:s13], [sflag:$0x3], $0x4000, s6, s15, $0x38;
	[tilespmem:$0x14000] =	vst v63  }
0x132: {  	_ =	swait.ge [sflag:s16], $0x4000  }
0x133: {  	[sflag:s16] =	ssyncset.done $0x0  }
0x134: {  	s1 =	rddreg [dreg:$0x10];
	[sflag:s16] =	ssyncadd.s32 $0xFFFFC000  }
0x135: {  	[hbm4b:s1+s15] =	stream.strided.scatter [tilespmem:s10], [sflag:$0x3], $0x4000, s6, s15, $0x38;
	[tilespmem:$0x14000] =	vst v63  }
0x136: {  	s2 =	rddreg [dreg:$0x11]  }
0x137: {  	[hbm4b:s2+s15] =	stream.strided.scatter [tilespmem:s10], [sflag:$0x3], $0x4000, s6, s15, $0x38;
	[tilespmem:$0x14000] =	vst v63  }
0x138: {  	s1 =	rddreg [dreg:$0x12]  }
0x139: {  	[hbm4b:s1+s15] =	stream.strided.scatter [tilespmem:s10], [sflag:$0x3], $0x4000, s6, s15, $0x38;
	[tilespmem:$0x14000] =	vst v63  }
0x13a: {  	s2 =	rddreg [dreg:$0x13]  }
0x13b: {  	[hbm4b:s2+s15] =	stream.strided.scatter [tilespmem:s10], [sflag:$0x3], $0x4000, s6, s15, $0x38;
	[tilespmem:$0x14000] =	vst v63  }
0x13c: {  	_ =	swait.ge [sflag:s16], $0x4000  }
0x13d: {  	[sflag:s16] =	ssyncset.done $0x0  }
0x13e: {  	s1 =	rddreg [dreg:$0x14];
	[sflag:s16] =	ssyncadd.s32 $0xFFFFC000  }
0x13f: {  	[hbm4b:s1+s15] =	stream.strided.scatter [tilespmem:s9], [sflag:$0x3], $0x4000, s6, s15, $0x38;
	[tilespmem:$0x14000] =	vst v63  }
0x140: {  	s2 =	rddreg [dreg:$0x15]  }
0x141: {  	[hbm4b:s2+s15] =	stream.strided.scatter [tilespmem:s9], [sflag:$0x3], $0x4000, s6, s15, $0x38;
	[tilespmem:$0x14000] =	vst v63  }
0x142: {  	s1 =	rddreg [dreg:$0x16]  }
0x143: {  	[hbm4b:s1+s15] =	stream.strided.scatter [tilespmem:s9], [sflag:$0x3], $0x4000, s6, s15, $0x38;
	[tilespmem:$0x14000] =	vst v63  }
0x144: {  	s2 =	rddreg [dreg:$0x17]  }
0x145: {  	[hbm4b:s2+s15] =	stream.strided.scatter [tilespmem:s9], [sflag:$0x3], $0x4000, s6, s15, $0x38;
	[tilespmem:$0x14000] =	vst v63  }
0x146: {  	_ =	swait.ge [sflag:s8], $0x4000  }
0x147: {  	[sflag:s8] =	ssyncset.done $0x0  }
0x148: {  	[sflag:s8] =	ssyncadd.s32 $0xFFFFC000  }
0x149: {  	_ =	swait.ge [sflag:s8], $0x4000  }
0x14a: {  	[sflag:s8] =	ssyncset.done $0x0  }
0x14b: {  	[sflag:s8] =	ssyncadd.s32 $0xFFFFC000  }
0x14c: {  	_ =	swait.ge [sflag:s8], $0x4000  }
0x14d: {  	[sflag:s8] =	ssyncset.done $0x0  }
0x14e: {  	[sflag:s8] =	ssyncadd.s32 $0xFFFFC000  }
0x14f: {  	_ =	swait.ge [sflag:s8], $0x4000  }
0x150: {  	[sflag:s8] =	ssyncset.done $0x0  }
0x151: {  	[sflag:s8] =	ssyncadd.s32 $0xFFFFC000  }
0x152: {  	_ =	swait.ge [sflag:s8], $0x4000  }
0x153: {  	[sflag:s8] =	ssyncset.done $0x0  }
0x154: {  	[sflag:s8] =	ssyncadd.s32 $0xFFFFC000  }
0x155: {  	_ =	swait.ge [sflag:s8], $0x4000  }
0x156: {  	[sflag:s8] =	ssyncset.done $0x0  }
0x157: {  	[sflag:s8] =	ssyncadd.s32 $0xFFFFC000  }
0x158: {  	_ =	swait.ge [sflag:s8], $0x4000  }
0x159: {  	[sflag:s8] =	ssyncset.done $0x0  }
0x15a: {  	[sflag:s8] =	ssyncadd.s32 $0xFFFFC000  }
0x15b: {  	_ =	swait.ge [sflag:s8], $0x4000  }
0x15c: {  	[sflag:s8] =	ssyncset.done $0x0  }
0x15d: {  	[sflag:s8] =	ssyncadd.s32 $0xFFFFC000  }
0x15e: {  	_ =	swait.ge [sflag:s8], $0x4000  }
0x15f: {  	[sflag:s8] =	ssyncset.done $0x0  }
0x160: {  	[sflag:s8] =	ssyncadd.s32 $0xFFFFC000  }
0x161: {  	_ =	swait.ge [sflag:s8], $0x4000  }
0x162: {  	[sflag:s8] =	ssyncset.done $0x0  }
0x163: {  	[sflag:s8] =	ssyncadd.s32 $0xFFFFC000  }
0x164: {  	_ =	swait.ge [sflag:s8], $0x4000  }
0x165: {  	[sflag:s8] =	ssyncset.done $0x0  }
0x166: {  	[sflag:s8] =	ssyncadd.s32 $0xFFFFC000  }
0x167: {  	_ =	swait.ge [sflag:s8], $0x4000  }
0x168: {  	[sflag:s8] =	ssyncset.done $0x0  }
0x169: {  	[sflag:s8] =	ssyncadd.s32 $0xFFFFC000  }
0x16a: {  	_ =	swait.ge [sflag:s8], $0x4000  }
0x16b: {  	[sflag:s8] =	ssyncset.done $0x0  }
0x16c: {  	[sflag:s8] =	ssyncadd.s32 $0xFFFFC000  }
0x16d: {  	_ =	swait.ge [sflag:s8], $0x4000  }
0x16e: {  	[sflag:s8] =	ssyncset.done $0x0  }
0x16f: {  	[sflag:s8] =	ssyncadd.s32 $0xFFFFC000  }
0x170: {  	_ =	swait.ge [sflag:s8], $0x4000  }
0x171: {  	[sflag:s8] =	ssyncset.done $0x0  }
0x172: {  	p1 =	sne.s32 s0, $0x1;
	[sflag:s8] =	ssyncadd.s32 $0xFFFFC000  }
.Ltmp2:
0x173: {  	_ =	swait.ge [sflag:s8], $0x4000;
	(pc) =	sbr.rel @p1 .LBB2_3-.Ltmp2, $4  }
0x174: {  	[sflag:s8] =	ssyncset.done $0x0  }
0x175: {  	[sflag:s8] =	ssyncadd.s32 $0xFFFFC000  }
0x176: {  	_ =	swait.ge [sflag:s7], $0x8000  }
0x177: {  	s0 =	sadd.s32 $0xFFFFFFFF, s0;
	[sflag:s7] =	ssyncset.done $0x0  }
0x178: {  	s30 =	rddreg [dreg:$0x4]  }
0x179: {  	s31 =	stileid.u32;
	s2 =	rddreg [dreg:$0x3]  }
.LBB2_5:
0x17a: {  	_ =	sdelay $0x2  }
0x17b: {  	[sflag:s7] =	ssyncadd.s32 @p0 $0xFFFF8000  }
0x17c: {  	[tilespmem:s6], [sflag:$0x1] =	stream.indirect_vreg.gather [hbm4b:s3+s4], $0x80, v1, vm0, $0xb8;
	[tilespmem:$0x14000] =	vst v63  }
0x17d: {  	s0 =	rddreg [dreg:$0x18]  }
0x17e: {  	[tilespmem:s0], [sflag:$0x1] =	stream.indirect_vreg.gather [hbm4b:s11+s4], $0x80, v1, vm0, $0xb8;
	[tilespmem:$0x14000] =	vst v63  }
0x17f: {  	s1 =	rddreg [dreg:$0x19]  }
0x180: {  	[tilespmem:s1], [sflag:$0x1] =	stream.indirect_vreg.gather [hbm4b:s12+s4], $0x80, v1, vm0, $0xb8;
	[tilespmem:$0x14000] =	vst v63  }
0x181: {  	s0 =	rddreg [dreg:$0x1a]  }
0x182: {  	[tilespmem:s0], [sflag:$0x1] =	stream.indirect_vreg.gather [hbm4b:s14+s4], $0x80, v1, vm0, $0xb8;
	[tilespmem:$0x14000] =	vst v63  }
0x183: {  	s1 =	rddreg [dreg:$0x1b]  }
0x184: {  	[tilespmem:s1], [sflag:$0x1] =	stream.indirect_vreg.gather [hbm4b:s3+s4], $0x80, v0, vm0, $0xb8;
	[tilespmem:$0x14000] =	vst v63  }
0x185: {  	s0 =	rddreg [dreg:$0x1c]  }
0x186: {  	[tilespmem:s0], [sflag:$0x1] =	stream.indirect_vreg.gather [hbm4b:s11+s4], $0x80, v0, vm0, $0xb8;
	[tilespmem:$0x14000] =	vst v63  }
0x187: {  	s1 =	rddreg [dreg:$0x1d]  }
0x188: {  	[tilespmem:s1], [sflag:$0x1] =	stream.indirect_vreg.gather [hbm4b:s12+s4], $0x80, v0, vm0, $0xb8;
	[tilespmem:$0x14000] =	vst v63  }
0x189: {  	s0 =	rddreg [dreg:$0x1e]  }
0x18a: {  	[tilespmem:s0], [sflag:$0x1] =	stream.indirect_vreg.gather [hbm4b:s14+s4], $0x80, v0, vm0, $0xb8;
	[tilespmem:$0x14000] =	vst v63  }
0x18b: {  	s1 =	sld [smem:$0x7F1]  }
0x18c: {  	[tilespmem:s13], [sflag:$0x1] =	stream.indirect_vreg.gather [hbm4b:s3+s4], $0x80, v7, vm0, $0xb8;
	[tilespmem:$0x14000] =	vst v63  }
0x18d: {  	s0 =	rddreg [dreg:$0x1f]  }
0x18e: {  	[tilespmem:s0], [sflag:$0x1] =	stream.indirect_vreg.gather [hbm4b:s11+s4], $0x80, v7, vm0, $0xb8;
	[tilespmem:$0x14000] =	vst v63  }
0x18f: {  	s0 =	sld [smem:$0x7F2]  }
0x190: {  	[tilespmem:s1], [sflag:$0x1] =	stream.indirect_vreg.gather [hbm4b:s12+s4], $0x80, v7, vm0, $0xb8;
	[tilespmem:$0x14000] =	vst v63  }
0x191: {  	s1 =	sld [smem:$0x7F3]  }
0x192: {  	[tilespmem:s0], [sflag:$0x1] =	stream.indirect_vreg.gather [hbm4b:s14+s4], $0x80, v7, vm0, $0xb8;
	[tilespmem:$0x14000] =	vst v63  }
0x193: {  	s0 =	sld [smem:$0x7F4]  }
0x194: {  	[tilespmem:s1], [sflag:$0x1] =	stream.indirect_vreg.gather [hbm4b:s3+s4], $0x80, v6, vm0, $0xb8;
	[tilespmem:$0x14000] =	vst v63  }
0x195: {  	s1 =	sld [smem:$0x7F5]  }
0x196: {  	[tilespmem:s0], [sflag:$0x1] =	stream.indirect_vreg.gather [hbm4b:s11+s4], $0x80, v6, vm0, $0xb8;
	[tilespmem:$0x14000] =	vst v63  }
0x197: {  	s0 =	sld [smem:$0x7F6]  }
0x198: {  	[tilespmem:s1], [sflag:$0x1] =	stream.indirect_vreg.gather [hbm4b:s12+s4], $0x80, v6, vm0, $0xb8;
	[tilespmem:$0x14000] =	vst v63  }
0x199: {  	_ = 	snop  }
0x19a: {  	[tilespmem:s0], [sflag:$0x1] =	stream.indirect_vreg.gather [hbm4b:s14+s4], $0x80, v6, vm0, $0xb8;
	[tilespmem:$0x14000] =	vst v63  }
0x19b: {  	s0 =	sld [smem:$0x7F7]  }
0x19c: {  	[tilespmem:s10], [sflag:$0x1] =	stream.indirect_vreg.gather [hbm4b:s3+s4], $0x80, v5, vm0, $0xb8;
	[tilespmem:$0x14000] =	vst v63  }
0x19d: {  	s1 =	sld [smem:$0x7F8]  }
0x19e: {  	[tilespmem:s0], [sflag:$0x1] =	stream.indirect_vreg.gather [hbm4b:s11+s4], $0x80, v5, vm0, $0xb8;
	[tilespmem:$0x14000] =	vst v63  }
0x19f: {  	s0 =	sld [smem:$0x7F9]  }
0x1a0: {  	[tilespmem:s1], [sflag:$0x1] =	stream.indirect_vreg.gather [hbm4b:s12+s4], $0x80, v5, vm0, $0xb8;
	[tilespmem:$0x14000] =	vst v63  }
0x1a1: {  	s1 =	sld [smem:$0x7FA]  }
0x1a2: {  	[tilespmem:s0], [sflag:$0x1] =	stream.indirect_vreg.gather [hbm4b:s14+s4], $0x80, v5, vm0, $0xb8;
	[tilespmem:$0x14000] =	vst v63  }
0x1a3: {  	s0 =	sld [smem:$0x7FB]  }
0x1a4: {  	[tilespmem:s1], [sflag:$0x1] =	stream.indirect_vreg.gather [hbm4b:s3+s4], $0x80, v3, vm0, $0xb8;
	[tilespmem:$0x14000] =	vst v63  }
0x1a5: {  	s1 =	sld [smem:$0x7FC]  }
0x1a6: {  	[tilespmem:s0], [sflag:$0x1] =	stream.indirect_vreg.gather [hbm4b:s11+s4], $0x80, v3, vm0, $0xb8;
	[tilespmem:$0x14000] =	vst v63  }
0x1a7: {  	s0 =	sld [smem:$0x7FD]  }
0x1a8: {  	[tilespmem:s1], [sflag:$0x1] =	stream.indirect_vreg.gather [hbm4b:s12+s4], $0x80, v3, vm0, $0xb8;
	[tilespmem:$0x14000] =	vst v63  }
0x1a9: {  	_ = 	snop  }
0x1aa: {  	[tilespmem:s0], [sflag:$0x1] =	stream.indirect_vreg.gather [hbm4b:s14+s4], $0x80, v3, vm0, $0xb8;
	[tilespmem:$0x14000] =	vst v63  }
0x1ab: {  	_ = 	snop  }
0x1ac: {  	[tilespmem:s9], [sflag:$0x1] =	stream.indirect_vreg.gather [hbm4b:s3+s4], $0x80, v4, vm0, $0xb8;
	[tilespmem:$0x14000] =	vst v63  }
0x1ad: {  	_ = 	snop  }
0x1ae: {  	[tilespmem:s17], [sflag:$0x1] =	stream.indirect_vreg.gather [hbm4b:s11+s4], $0x80, v4, vm0, $0xb8;
	[tilespmem:$0x14000] =	vst v63  }
0x1af: {  	_ = 	snop  }
0x1b0: {  	[tilespmem:s19], [sflag:$0x1] =	stream.indirect_vreg.gather [hbm4b:s12+s4], $0x80, v4, vm0, $0xb8;
	[tilespmem:$0x14000] =	vst v63  }
0x1b1: {  	_ = 	snop  }
0x1b2: {  	[tilespmem:s20], [sflag:$0x1] =	stream.indirect_vreg.gather [hbm4b:s14+s4], $0x80, v4, vm0, $0xb8;
	[tilespmem:$0x14000] =	vst v63  }
0x1b3: {  	_ = 	snop  }
0x1b4: {  	[tilespmem:s21], [sflag:$0x1] =	stream.indirect_vreg.gather [hbm4b:s3+s4], $0x80, v2, vm0, $0xb8;
	[tilespmem:$0x14000] =	vst v63  }
0x1b5: {  	_ = 	snop  }
0x1b6: {  	[tilespmem:s25], [sflag:$0x1] =	stream.indirect_vreg.gather [hbm4b:s11+s4], $0x80, v2, vm0, $0xb8;
	[tilespmem:$0x14000] =	vst v63  }
0x1b7: {  	s25 =	rddreg [dreg:$0x6]  }
0x1b8: {  	[tilespmem:s26], [sflag:$0x1] =	stream.indirect_vreg.gather [hbm4b:s12+s4], $0x80, v2, vm0, $0xb8;
	[tilespmem:$0x14000] =	vst v63  }
0x1b9: {  	s26 =	rddreg [dreg:$0x5]  }
0x1ba: {  	[tilespmem:s22], [sflag:$0x1] =	stream.indirect_vreg.gather [hbm4b:s14+s4], $0x80, v2, vm0, $0xb8;
	[tilespmem:$0x14000] =	vst v63  }
0x1bb: {  	[spmem:s29], [sflag:s25] =	dma.local [hbm:s26], $0x800  }
0x1bc: {  	_ =	swait.ge [sflag:s23], $0x800  }
0x1bd: {  	[sflag:s23] =	ssyncset.done $0x0  }
0x1be: {  	[sflag:s23] =	ssyncadd.s32 $0xFFFFF800  }
0x1bf: {  	[bflag:$0x0] =	sbarrier.arrive $0xFFFF  }
0x1c0: {  	s2 =	sshrl.u32 s2, $0x3;
	s4 =	sor.u32 $0x1C02, s5;
	s3 =	rddreg [dreg:$0x7]  }
0x1c1: {  	[hbm:s3@s24], [sflag:s4] =	dma.strided [spmem:s2@s28], $0x8000, s18, $0x10   }
0x1c2: {  	_ =	swait.ge [sflag:s16], $0x4000  }
0x1c3: {  	[sflag:s16] =	ssyncset.done $0x0  }
0x1c4: {  	s5 =	rddreg [dreg:$0x8];
	[sflag:s16] =	ssyncadd.s32 $0xFFFFC000  }
0x1c5: {  	[hbm4b:s5+s15] =	stream.strided.scatter [tilespmem:s6], [sflag:$0x3], $0x4000, s6, s15, $0x38;
	[tilespmem:$0x14000] =	vst v63  }
0x1c6: {  	s11 =	rddreg [dreg:$0x9]  }
0x1c7: {  	[hbm4b:s11+s15] =	stream.strided.scatter [tilespmem:s6], [sflag:$0x3], $0x4000, s6, s15, $0x38;
	[tilespmem:$0x14000] =	vst v63  }
0x1c8: {  	s12 =	rddreg [dreg:$0xa]  }
0x1c9: {  	[hbm4b:s12+s15] =	stream.strided.scatter [tilespmem:s6], [sflag:$0x3], $0x4000, s6, s15, $0x38;
	[tilespmem:$0x14000] =	vst v63  }
0x1ca: {  	s14 =	rddreg [dreg:$0xb]  }
0x1cb: {  	[hbm4b:s14+s15] =	stream.strided.scatter [tilespmem:s6], [sflag:$0x3], $0x4000, s6, s15, $0x38;
	[tilespmem:$0x14000] =	vst v63  }
0x1cc: {  	_ =	swait.ge [sflag:s16], $0x4000  }
0x1cd: {  	[sflag:s16] =	ssyncset.done $0x0  }
0x1ce: {  	s17 =	rddreg [dreg:$0xc];
	[sflag:s16] =	ssyncadd.s32 $0xFFFFC000  }
0x1cf: {  	[hbm4b:s17+s15] =	stream.strided.scatter [tilespmem:s13], [sflag:$0x3], $0x4000, s6, s15, $0x38;
	[tilespmem:$0x14000] =	vst v63  }
0x1d0: {  	s18 =	rddreg [dreg:$0xd]  }
0x1d1: {  	[hbm4b:s18+s15] =	stream.strided.scatter [tilespmem:s13], [sflag:$0x3], $0x4000, s6, s15, $0x38;
	[tilespmem:$0x14000] =	vst v63  }
0x1d2: {  	s19 =	rddreg [dreg:$0xe]  }
0x1d3: {  	[hbm4b:s19+s15] =	stream.strided.scatter [tilespmem:s13], [sflag:$0x3], $0x4000, s6, s15, $0x38;
	[tilespmem:$0x14000] =	vst v63  }
0x1d4: {  	s20 =	rddreg [dreg:$0xf]  }
0x1d5: {  	[hbm4b:s20+s15] =	stream.strided.scatter [tilespmem:s13], [sflag:$0x3], $0x4000, s6, s15, $0x38;
	[tilespmem:$0x14000] =	vst v63  }
0x1d6: {  	_ =	swait.ge [sflag:s16], $0x4000  }
0x1d7: {  	[sflag:s16] =	ssyncset.done $0x0  }
0x1d8: {  	s21 =	rddreg [dreg:$0x10];
	[sflag:s16] =	ssyncadd.s32 $0xFFFFC000  }
0x1d9: {  	[hbm4b:s21+s15] =	stream.strided.scatter [tilespmem:s10], [sflag:$0x3], $0x4000, s6, s15, $0x38;
	[tilespmem:$0x14000] =	vst v63  }
0x1da: {  	s22 =	rddreg [dreg:$0x11]  }
0x1db: {  	[hbm4b:s22+s15] =	stream.strided.scatter [tilespmem:s10], [sflag:$0x3], $0x4000, s6, s15, $0x38;
	[tilespmem:$0x14000] =	vst v63  }
0x1dc: {  	s23 =	rddreg [dreg:$0x12]  }
0x1dd: {  	[hbm4b:s23+s15] =	stream.strided.scatter [tilespmem:s10], [sflag:$0x3], $0x4000, s6, s15, $0x38;
	[tilespmem:$0x14000] =	vst v63  }
0x1de: {  	s24 =	rddreg [dreg:$0x13]  }
0x1df: {  	[hbm4b:s24+s15] =	stream.strided.scatter [tilespmem:s10], [sflag:$0x3], $0x4000, s6, s15, $0x38;
	[tilespmem:$0x14000] =	vst v63  }
0x1e0: {  	_ =	swait.ge [sflag:s16], $0x4000  }
0x1e1: {  	[sflag:s16] =	ssyncset.done $0x0  }
0x1e2: {  	s25 =	rddreg [dreg:$0x14];
	[sflag:s16] =	ssyncadd.s32 $0xFFFFC000  }
0x1e3: {  	[hbm4b:s25+s15] =	stream.strided.scatter [tilespmem:s9], [sflag:$0x3], $0x4000, s6, s15, $0x38;
	[tilespmem:$0x14000] =	vst v63  }
0x1e4: {  	s26 =	rddreg [dreg:$0x15]  }
0x1e5: {  	[hbm4b:s26+s15] =	stream.strided.scatter [tilespmem:s9], [sflag:$0x3], $0x4000, s6, s15, $0x38;
	[tilespmem:$0x14000] =	vst v63  }
0x1e6: {  	s28 =	rddreg [dreg:$0x16]  }
0x1e7: {  	[hbm4b:s28+s15] =	stream.strided.scatter [tilespmem:s9], [sflag:$0x3], $0x4000, s6, s15, $0x38;
	[tilespmem:$0x14000] =	vst v63  }
0x1e8: {  	s29 =	rddreg [dreg:$0x17]  }
0x1e9: {  	[hbm4b:s29+s15] =	stream.strided.scatter [tilespmem:s9], [sflag:$0x3], $0x4000, s6, s15, $0x38;
	[tilespmem:$0x14000] =	vst v63  }
0x1ea: {  	_ =	swait.ge [sflag:s8], $0x4000  }
0x1eb: {  	[sflag:s8] =	ssyncset.done $0x0  }
0x1ec: {  	[sflag:s8] =	ssyncadd.s32 $0xFFFFC000  }
0x1ed: {  	_ =	swait.ge [sflag:s8], $0x4000  }
0x1ee: {  	[sflag:s8] =	ssyncset.done $0x0  }
0x1ef: {  	[sflag:s8] =	ssyncadd.s32 $0xFFFFC000  }
0x1f0: {  	_ =	swait.ge [sflag:s8], $0x4000  }
0x1f1: {  	[sflag:s8] =	ssyncset.done $0x0  }
0x1f2: {  	[sflag:s8] =	ssyncadd.s32 $0xFFFFC000  }
0x1f3: {  	_ =	swait.ge [sflag:s8], $0x4000  }
0x1f4: {  	[sflag:s8] =	ssyncset.done $0x0  }
0x1f5: {  	[sflag:s8] =	ssyncadd.s32 $0xFFFFC000  }
0x1f6: {  	_ =	swait.ge [sflag:s8], $0x4000  }
0x1f7: {  	[sflag:s8] =	ssyncset.done $0x0  }
0x1f8: {  	[sflag:s8] =	ssyncadd.s32 $0xFFFFC000  }
0x1f9: {  	_ =	swait.ge [sflag:s8], $0x4000  }
0x1fa: {  	[sflag:s8] =	ssyncset.done $0x0  }
0x1fb: {  	[sflag:s8] =	ssyncadd.s32 $0xFFFFC000  }
0x1fc: {  	_ =	swait.ge [sflag:s8], $0x4000  }
0x1fd: {  	[sflag:s8] =	ssyncset.done $0x0  }
0x1fe: {  	[sflag:s8] =	ssyncadd.s32 $0xFFFFC000  }
0x1ff: {  	_ =	swait.ge [sflag:s8], $0x4000  }
0x200: {  	[sflag:s8] =	ssyncset.done $0x0  }
0x201: {  	[sflag:s8] =	ssyncadd.s32 $0xFFFFC000  }
0x202: {  	_ =	swait.ge [sflag:s8], $0x4000  }
0x203: {  	[sflag:s8] =	ssyncset.done $0x0  }
0x204: {  	[sflag:s8] =	ssyncadd.s32 $0xFFFFC000  }
0x205: {  	_ =	swait.ge [sflag:s8], $0x4000  }
0x206: {  	[sflag:s8] =	ssyncset.done $0x0  }
0x207: {  	[sflag:s8] =	ssyncadd.s32 $0xFFFFC000  }
0x208: {  	_ =	swait.ge [sflag:s8], $0x4000  }
0x209: {  	[sflag:s8] =	ssyncset.done $0x0  }
0x20a: {  	[sflag:s8] =	ssyncadd.s32 $0xFFFFC000  }
0x20b: {  	_ =	swait.ge [sflag:s8], $0x4000  }
0x20c: {  	[sflag:s8] =	ssyncset.done $0x0  }
0x20d: {  	[sflag:s8] =	ssyncadd.s32 $0xFFFFC000  }
0x20e: {  	_ =	swait.ge [sflag:s8], $0x4000  }
0x20f: {  	[sflag:s8] =	ssyncset.done $0x0  }
0x210: {  	[sflag:s8] =	ssyncadd.s32 $0xFFFFC000  }
0x211: {  	_ =	swait.ge [sflag:s8], $0x4000  }
0x212: {  	[sflag:s8] =	ssyncset.done $0x0  }
0x213: {  	[sflag:s8] =	ssyncadd.s32 $0xFFFFC000  }
0x214: {  	_ =	swait.ge [sflag:s8], $0x4000  }
0x215: {  	[sflag:s8] =	ssyncset.done $0x0  }
0x216: {  	[sflag:s8] =	ssyncadd.s32 $0xFFFFC000  }
0x217: {  	_ =	swait.ge [sflag:s8], $0x4000  }
0x218: {  	[sflag:s8] =	ssyncset.done $0x0  }
0x219: {  	[sflag:s8] =	ssyncadd.s32 $0xFFFFC000  }
0x21a: {  	_ =	swait.ge [sflag:s7], $0x8000  }
0x21b: {  	[sflag:s7] =	ssyncset.done $0x0  }
0x21c: {  	[sflag:s7] =	ssyncadd.s32 $0xFFFF8000  }
0x21d: {  	_ =	sfence.sel $0x180000  }
0x21e: {  	[bflag:$0x0] =	sbarrier.arrive $0xFFFF  }
0x21f: {  	p0 =	sne.s32 s31, $0x0;
	_ =	strace $0x90000047  }
0x220: {  	s0 =	sadd.s32 @!p0 $0x100000, s30;
	[bflag:$0x2] =	sbarrier.arrive $0xFFFF  }
0x221: {  	[sflag:s0] =	ssyncadd.tile.s32 @!p0 $0x1;
	_ =	shalt  }
.LBB2_2:
.Ltmp3:
0x222: {  	(pc) =	sbr.rel .LBB2_5-.Ltmp3, $3  }
0x223: {  	_ =	sdelay $0x1  }
0x224: {  	s30 =	rddreg [dreg:$0x4]  }
0x225: {  	s31 =	stileid.u32;
	s2 =	rddreg [dreg:$0x3]  }
.Lfunc_end2:
_tile_overlayer_lowered:
.L_overlay_start_2:
0x226: {  	(tag) =	ssettag $0x2  }
0x227: {  	s0 =	rddreg [dreg:$0x0];
	s2 =	stileid.u32  }
0x228: {  	s1 =	rddreg [dreg:$0x1];
	p0 =	sne.s32 s2, $0x0  }
0x229: {  	s3 =	rddreg [dreg:$0x2];
	[bflag:$0x3] =	sbarrier.arrive $0xFFFF;
	s2 =	simm.s32 @!p0 $0x1C04  }
0x22a: {  	[timem:s3], [sflag:s2] =	dma.local @!p0 [hbm:s0], s1  }
0x22b: {  	s0 =	simm.s32 @!p0 $0x4  }
0x22c: {  	_ =	swait.ge @!p0 [sflag:s0], s1  }
0x22d: {  	s1 =	ssub.s32 @!p0 $0x0, s1;
	[sflag:s0] =	ssyncset.done @!p0 $0x0  }
0x22e: {  	[sflag:s0] =	ssyncadd.s32 @!p0 s1  }
0x22f: {  	[bflag:$0x3] =	sbarrier.arrive $0xFFFF  }
0x230: {  	_ =	shalt  }

</sc_bundles>
